<compile_context>
chip_gen: v7x
topology: tpu7x:2x2x1
jax: 0.10.2.dev20260603
libtpu: 0.0.44.dev20260713+nightly
codegen_flags: <defaults>
</compile_context>

<pallas_src>
import jax
import jax.numpy as jnp
from jax import lax
from jax.experimental import pallas as pl
from jax.experimental.pallas import tpu as pltpu
from jax.experimental.pallas import tpu_sc as plsc

B = 1024
N = 100000
K = 64
NW = 32
PER_W = B * K // NW
CHUNK = 128
NCHUNK = PER_W // CHUNK
VPC = CHUNK // 16


def _gather_kernel(
    data_hbm, idx_hbm, out_hbm, idx_v, vals_v,
    sem_i, sem_o, sem_g0, sem_g1, sem_g2, sem_g3,
):
    w = lax.axis_index("s") * 2 + lax.axis_index("c")
    base = w * PER_W
    sem_g = [sem_g0, sem_g1, sem_g2, sem_g3]
    NQ = len(sem_g)
    QCH = NCHUNK // NQ
    QW = PER_W // NQ

    idx_loads = [
        pltpu.async_copy(
            idx_hbm.at[pl.ds(base + qq * QW, QW)],
            idx_v.at[pl.ds(qq * QW, QW)],
            sem_i,
        )
        for qq in range(NQ)
    ]

    lane = lax.iota(jnp.int32, 16)

    for qq in range(NQ):
        idx_loads[qq].wait()

        def chunk_body(ch, carry, _sem=sem_g[qq]):
            b_hi = ((base + ch * CHUNK) >> 10) & 7
            for q in range(VPC):
                sbase = (b_hi << 10) + q * 16
                loc = ch * CHUNK + q * 16
                c = idx_v[pl.ds(loc, 16)]
                idx_v[pl.ds(loc, 16)] = (
                    ((c >> 3) << 13) + ((c & 7) << 7) + sbase + lane
                )
            pltpu.async_copy(
                data_hbm.at[idx_v.at[pl.ds(ch * CHUNK, CHUNK)]],
                vals_v.at[pl.ds(ch * CHUNK, CHUNK)],
                _sem,
            )
            return carry

        lax.fori_loop(qq * QCH, (qq + 1) * QCH, chunk_body, 0)

    outs = []
    for qq in range(NQ):
        pltpu.make_async_copy(
            data_hbm.at[pl.ds(0, QW)],
            vals_v.at[pl.ds(qq * QW, QW)],
            sem_g[qq],
        ).wait()
        outs.append(
            pltpu.async_copy(
                vals_v.at[pl.ds(qq * QW, QW)],
                out_hbm.at[pl.ds(base + qq * QW, QW)],
                sem_o,
            )
        )
    for o in outs:
        o.wait()


@jax.jit
def _gather_flat(data_flat, idx_flat):
    mesh = plsc.VectorSubcoreMesh(core_axis_name="c", subcore_axis_name="s")
    return pl.kernel(
        _gather_kernel,
        mesh=mesh,
        out_type=jax.ShapeDtypeStruct((B * K,), jnp.float32),
        scratch_types=[
            pltpu.VMEM((PER_W,), jnp.int32),
            pltpu.VMEM((PER_W,), jnp.float32),
            pltpu.SemaphoreType.DMA,
            pltpu.SemaphoreType.DMA,
            pltpu.SemaphoreType.DMA,
            pltpu.SemaphoreType.DMA,
            pltpu.SemaphoreType.DMA,
            pltpu.SemaphoreType.DMA,
        ],
    )(data_flat, idx_flat)


def kernel(data, idx):
    data_flat = (
        data.T.reshape(N // 8, 8, B // 128, 128)
        .transpose(0, 2, 1, 3)
        .reshape(B * N)
    )
    idx_flat = (
        idx.astype(jnp.int32)
        .T.reshape(K // 8, 8, B // 128, 128)
        .transpose(0, 2, 1, 3)
        .reshape(B * K)
    )
    out_flat = _gather_flat(data_flat, idx_flat)
    return (
        out_flat.reshape(K // 8, B // 128, 8, 128)
        .transpose(0, 2, 1, 3)
        .reshape(K, B)
        .T
    )

# --- scband reference (transcript-rebuilt; emitter-appended) ---
"""Pipeline reference for scband-fast-gather-last-dim-88742614270357 (READ-ONLY COPY).

The authoritative reference and input builder live on the scoring server;
editing this copy changes nothing except your own understanding.
"""

import jax, jax.numpy as jnp
import numpy as np


def setup_inputs(seed: int = 0) -> dict:
    key = jax.random.key(seed)
    k1, k2 = jax.random.split(key, 2)
    data = jax.random.normal(k1, (1024, 100000), dtype=jnp.float32)
    idx = jax.random.randint(k2, (1024, 64), 0, 100000, dtype=jnp.int64)
    return {"data": data, "idx": idx}


def reference(data, idx):
    # torch.gather(data, -1, idx) equivalent: gather along last dimension
    return jnp.take_along_axis(data, idx, axis=-1)

if __name__ == "__main__":
    import jax
    _d = setup_inputs()
    print(jax.jit(kernel)(*tuple(_d.values())))

</pallas_src>

<mosaic_0001>
#map = affine_map<(d0, d1) -> (0)>
module attributes {stable_mosaic.version = 14 : i64} {
  func.func @_gather_kernel(%arg0: i32, %arg1: i32, %arg2: memref<102400000xf32, #tpu.memory_space<hbm>>, %arg3: memref<65536xi32, #tpu.memory_space<hbm>>, %arg4: memref<65536xf32, #tpu.memory_space<hbm>>, %arg5: memref<2048xi32, #tpu.memory_space<vmem>>, %arg6: memref<2048xf32, #tpu.memory_space<vmem>>, %arg7: memref<!tpu.dma_semaphore, #tpu.memory_space<semaphore_mem>>, %arg8: memref<!tpu.dma_semaphore, #tpu.memory_space<semaphore_mem>>, %arg9: memref<!tpu.dma_semaphore, #tpu.memory_space<semaphore_mem>>, %arg10: memref<!tpu.dma_semaphore, #tpu.memory_space<semaphore_mem>>, %arg11: memref<!tpu.dma_semaphore, #tpu.memory_space<semaphore_mem>>, %arg12: memref<!tpu.dma_semaphore, #tpu.memory_space<semaphore_mem>>) attributes {dimension_semantics = [#tpu.dimension_semantics<core_parallel>, #tpu.dimension_semantics<subcore_parallel>], iteration_bounds = array<i64: 2, 16>, scalar_prefetch = 0 : i64, scratch_operands = 8 : i64, tpu.core_type = #tpu.core_type<sc_vector_subcore>, window_params = [{transform_indices = #map}, {transform_indices = #map}, {transform_indices = #map}]} {
    %mul3A = arith.constant 2 : i32
    %mul3A_0 = arith.muli %arg1, %mul3A : i32
    %add3A = arith.addi %mul3A_0, %arg0 : i32
    %mul3A_1 = arith.constant 2048 : i32
    %mul3A_2 = arith.muli %add3A, %mul3A_1 : i32
    %add3A_3 = arith.constant 0 : i32
    %add3A_4 = arith.addi %mul3A_2, %add3A_3 : i32
    %dma_start3A = arith.constant 0 : i32
    %dma_start3A_5 = tpu.memref_slice %arg5[%dma_start3A] : memref<2048xi32, #tpu.memory_space<vmem>> -> memref<512xi32, #tpu.memory_space<vmem>>
    %dma_start3A_6 = tpu.memref_slice %arg3[%add3A_4] : memref<65536xi32, #tpu.memory_space<hbm>> -> memref<512xi32, #tpu.memory_space<hbm>>
    %dma_start3A_7 = arith.constant 0 : i32
    %dma_start3A_8 = tpu.memref_slice %arg5[%dma_start3A_7] : memref<2048xi32, #tpu.memory_space<vmem>> -> memref<512xi32, #tpu.memory_space<vmem>>
    %dma_start3A_9 = tpu.memref_slice %arg3[%add3A_4] : memref<65536xi32, #tpu.memory_space<hbm>> -> memref<512xi32, #tpu.memory_space<hbm>>
    tpu.enqueue_dma source(%dma_start3A_9 : memref<512xi32, #tpu.memory_space<hbm>>) target(%dma_start3A_8 : memref<512xi32, #tpu.memory_space<vmem>>) target_semaphore(%arg7 : memref<!tpu.dma_semaphore, #tpu.memory_space<semaphore_mem>>)
    %add3A_10 = arith.constant 512 : i32
    %add3A_11 = arith.addi %mul3A_2, %add3A_10 : i32
    %dma_start3A_12 = arith.constant 512 : i32
    %dma_start3A_13 = tpu.memref_slice %arg5[%dma_start3A_12] : memref<2048xi32, #tpu.memory_space<vmem>> -> memref<512xi32, #tpu.memory_space<vmem>>
    %dma_start3A_14 = tpu.memref_slice %arg3[%add3A_11] : memref<65536xi32, #tpu.memory_space<hbm>> -> memref<512xi32, #tpu.memory_space<hbm>>
    %dma_start3A_15 = arith.constant 512 : i32
    %dma_start3A_16 = tpu.memref_slice %arg5[%dma_start3A_15] : memref<2048xi32, #tpu.memory_space<vmem>> -> memref<512xi32, #tpu.memory_space<vmem>>
    %dma_start3A_17 = tpu.memref_slice %arg3[%add3A_11] : memref<65536xi32, #tpu.memory_space<hbm>> -> memref<512xi32, #tpu.memory_space<hbm>>
    tpu.enqueue_dma source(%dma_start3A_17 : memref<512xi32, #tpu.memory_space<hbm>>) target(%dma_start3A_16 : memref<512xi32, #tpu.memory_space<vmem>>) target_semaphore(%arg7 : memref<!tpu.dma_semaphore, #tpu.memory_space<semaphore_mem>>)
    %add3A_18 = arith.constant 1024 : i32
    %add3A_19 = arith.addi %mul3A_2, %add3A_18 : i32
    %dma_start3A_20 = arith.constant 1024 : i32
    %dma_start3A_21 = tpu.memref_slice %arg5[%dma_start3A_20] : memref<2048xi32, #tpu.memory_space<vmem>> -> memref<512xi32, #tpu.memory_space<vmem>>
    %dma_start3A_22 = tpu.memref_slice %arg3[%add3A_19] : memref<65536xi32, #tpu.memory_space<hbm>> -> memref<512xi32, #tpu.memory_space<hbm>>
    %dma_start3A_23 = arith.constant 1024 : i32
    %dma_start3A_24 = tpu.memref_slice %arg5[%dma_start3A_23] : memref<2048xi32, #tpu.memory_space<vmem>> -> memref<512xi32, #tpu.memory_space<vmem>>
    %dma_start3A_25 = tpu.memref_slice %arg3[%add3A_19] : memref<65536xi32, #tpu.memory_space<hbm>> -> memref<512xi32, #tpu.memory_space<hbm>>
    tpu.enqueue_dma source(%dma_start3A_25 : memref<512xi32, #tpu.memory_space<hbm>>) target(%dma_start3A_24 : memref<512xi32, #tpu.memory_space<vmem>>) target_semaphore(%arg7 : memref<!tpu.dma_semaphore, #tpu.memory_space<semaphore_mem>>)
    %add3A_26 = arith.constant 1536 : i32
    %add3A_27 = arith.addi %mul3A_2, %add3A_26 : i32
    %dma_start3A_28 = arith.constant 1536 : i32
    %dma_start3A_29 = tpu.memref_slice %arg5[%dma_start3A_28] : memref<2048xi32, #tpu.memory_space<vmem>> -> memref<512xi32, #tpu.memory_space<vmem>>
    %dma_start3A_30 = tpu.memref_slice %arg3[%add3A_27] : memref<65536xi32, #tpu.memory_space<hbm>> -> memref<512xi32, #tpu.memory_space<hbm>>
    %dma_start3A_31 = arith.constant 1536 : i32
    %dma_start3A_32 = tpu.memref_slice %arg5[%dma_start3A_31] : memref<2048xi32, #tpu.memory_space<vmem>> -> memref<512xi32, #tpu.memory_space<vmem>>
    %dma_start3A_33 = tpu.memref_slice %arg3[%add3A_27] : memref<65536xi32, #tpu.memory_space<hbm>> -> memref<512xi32, #tpu.memory_space<hbm>>
    tpu.enqueue_dma source(%dma_start3A_33 : memref<512xi32, #tpu.memory_space<hbm>>) target(%dma_start3A_32 : memref<512xi32, #tpu.memory_space<vmem>>) target_semaphore(%arg7 : memref<!tpu.dma_semaphore, #tpu.memory_space<semaphore_mem>>)
    %iota3A = tpu.iota {dimensions = array<i32: 0>} : vector<16xi32>
    %dma_wait3A = arith.constant 0 : i32
    %dma_wait3A_34 = tpu.memref_slice %arg5[%dma_wait3A] : memref<2048xi32, #tpu.memory_space<vmem>> -> memref<512xi32, #tpu.memory_space<vmem>>
    %dma_wait3A_35 = tpu.memref_slice %arg3[%add3A_4] : memref<65536xi32, #tpu.memory_space<hbm>> -> memref<512xi32, #tpu.memory_space<hbm>>
    %dma_wait3A_36 = arith.constant 0 : i32
    %dma_wait3A_37 = tpu.memref_slice %arg5[%dma_wait3A_36] : memref<2048xi32, #tpu.memory_space<vmem>> -> memref<512xi32, #tpu.memory_space<vmem>>
    %dma_wait3A_38 = tpu.memref_slice %arg3[%add3A_4] : memref<65536xi32, #tpu.memory_space<hbm>> -> memref<512xi32, #tpu.memory_space<hbm>>
    tpu.wait_dma2 semaphore(%arg7 : memref<!tpu.dma_semaphore, #tpu.memory_space<semaphore_mem>>) src(%dma_wait3A_38 : memref<512xi32, #tpu.memory_space<hbm>>) dst(%dma_wait3A_37 : memref<512xi32, #tpu.memory_space<vmem>>)
    %scan3A = arith.constant 0 : i32
    %scan3A_39 = arith.constant 0 : i32
    %scan3A_40 = arith.constant 4 : i32
    %scan3A_41 = arith.addi %scan3A_39, %scan3A_40 : i32
    %scan3A_42 = arith.constant 1 : i32
    scf.for %scan3A_168 = %scan3A_39 to %scan3A_41 step %scan3A_42  : i32 {
      %mul3A_169 = arith.constant 128 : i32
      %mul3A_170 = arith.muli %scan3A_168, %mul3A_169 : i32
      %add3A_171 = arith.addi %mul3A_2, %mul3A_170 : i32
      %shift_right_arithmetic3A = arith.constant 10 : i32
      %shift_right_arithmetic3A_172 = arith.shrsi %add3A_171, %shift_right_arithmetic3A : i32
      %and3A = arith.constant 7 : i32
      %and3A_173 = arith.andi %shift_right_arithmetic3A_172, %and3A : i32
      %shift_left3A = arith.constant 10 : i32
      %shift_left3A_174 = arith.shli %and3A_173, %shift_left3A : i32
      %add3A_175 = arith.constant 0 : i32
      %add3A_176 = arith.addi %shift_left3A_174, %add3A_175 : i32
      %mul3A_177 = arith.constant 128 : i32
      %mul3A_178 = arith.muli %scan3A_168, %mul3A_177 : i32
      %add3A_179 = arith.constant 0 : i32
      %add3A_180 = arith.addi %mul3A_178, %add3A_179 : i32
      %get3A = arith.index_cast %add3A_180 : i32 to index
      %get3A_181 = tpu.vector_load %arg5[%get3A] {strides = array<i32>} : memref<2048xi32, #tpu.memory_space<vmem>>, vector<16xi32>,
      %get3A_182 = vector.shape_cast %get3A_181 : vector<16xi32> to vector<16xi32>
      %shift_right_arithmetic3A_183 = arith.constant 3 : i32
      %shift_right_arithmetic3A_184 = vector.broadcast %shift_right_arithmetic3A_183 : i32 to vector<16xi32>
      %shift_right_arithmetic3A_185 = arith.shrsi %get3A_182, %shift_right_arithmetic3A_184 : vector<16xi32>
      %shift_left3A_186 = arith.constant 13 : i32
      %shift_left3A_187 = vector.broadcast %shift_left3A_186 : i32 to vector<16xi32>
      %shift_left3A_188 = arith.shli %shift_right_arithmetic3A_185, %shift_left3A_187 : vector<16xi32>
      %and3A_189 = arith.constant 7 : i32
      %and3A_190 = vector.broadcast %and3A_189 : i32 to vector<16xi32>
      %and3A_191 = arith.andi %get3A_182, %and3A_190 : vector<16xi32>
      %shift_left3A_192 = arith.constant 7 : i32
      %shift_left3A_193 = vector.broadcast %shift_left3A_192 : i32 to vector<16xi32>
      %shift_left3A_194 = arith.shli %and3A_191, %shift_left3A_193 : vector<16xi32>
      %add3A_195 = arith.addi %shift_left3A_188, %shift_left3A_194 : vector<16xi32>
      %add3A_196 = vector.broadcast %add3A_176 : i32 to vector<16xi32>
      %add3A_197 = arith.addi %add3A_195, %add3A_196 : vector<16xi32>
      %add3A_198 = arith.addi %add3A_197, %iota3A : vector<16xi32>
      %swap3A = arith.index_cast %add3A_180 : i32 to index
      %swap3A_199 = tpu.vector_load %arg5[%swap3A] {strides = array<i32>} : memref<2048xi32, #tpu.memory_space<vmem>>, vector<16xi32>,
      %swap3A_200 = vector.shape_cast %swap3A_199 : vector<16xi32> to vector<16xi32>
      %swap3A_201 = vector.shape_cast %add3A_198 : vector<16xi32> to vector<16xi32>
      tpu.vector_store %arg5[%swap3A], %swap3A_201 {strides = array<i32>} : memref<2048xi32, #tpu.memory_space<vmem>>, vector<16xi32>,
      %shift_left3A_202 = arith.constant 10 : i32
      %shift_left3A_203 = arith.shli %and3A_173, %shift_left3A_202 : i32
      %add3A_204 = arith.constant 16 : i32
      %add3A_205 = arith.addi %shift_left3A_203, %add3A_204 : i32
      %mul3A_206 = arith.constant 128 : i32
      %mul3A_207 = arith.muli %scan3A_168, %mul3A_206 : i32
      %add3A_208 = arith.constant 16 : i32
      %add3A_209 = arith.addi %mul3A_207, %add3A_208 : i32
      %get3A_210 = arith.index_cast %add3A_209 : i32 to index
      %get3A_211 = tpu.vector_load %arg5[%get3A_210] {strides = array<i32>} : memref<2048xi32, #tpu.memory_space<vmem>>, vector<16xi32>,
      %get3A_212 = vector.shape_cast %get3A_211 : vector<16xi32> to vector<16xi32>
      %shift_right_arithmetic3A_213 = arith.constant 3 : i32
      %shift_right_arithmetic3A_214 = vector.broadcast %shift_right_arithmetic3A_213 : i32 to vector<16xi32>
      %shift_right_arithmetic3A_215 = arith.shrsi %get3A_212, %shift_right_arithmetic3A_214 : vector<16xi32>
      %shift_left3A_216 = arith.constant 13 : i32
      %shift_left3A_217 = vector.broadcast %shift_left3A_216 : i32 to vector<16xi32>
      %shift_left3A_218 = arith.shli %shift_right_arithmetic3A_215, %shift_left3A_217 : vector<16xi32>
      %and3A_219 = arith.constant 7 : i32
      %and3A_220 = vector.broadcast %and3A_219 : i32 to vector<16xi32>
      %and3A_221 = arith.andi %get3A_212, %and3A_220 : vector<16xi32>
      %shift_left3A_222 = arith.constant 7 : i32
      %shift_left3A_223 = vector.broadcast %shift_left3A_222 : i32 to vector<16xi32>
      %shift_left3A_224 = arith.shli %and3A_221, %shift_left3A_223 : vector<16xi32>
      %add3A_225 = arith.addi %shift_left3A_218, %shift_left3A_224 : vector<16xi32>
      %add3A_226 = vector.broadcast %add3A_205 : i32 to vector<16xi32>
      %add3A_227 = arith.addi %add3A_225, %add3A_226 : vector<16xi32>
      %add3A_228 = arith.addi %add3A_227, %iota3A : vector<16xi32>
      %swap3A_229 = arith.index_cast %add3A_209 : i32 to index
      %swap3A_230 = tpu.vector_load %arg5[%swap3A_229] {strides = array<i32>} : memref<2048xi32, #tpu.memory_space<vmem>>, vector<16xi32>,
      %swap3A_231 = vector.shape_cast %swap3A_230 : vector<16xi32> to vector<16xi32>
      %swap3A_232 = vector.shape_cast %add3A_228 : vector<16xi32> to vector<16xi32>
      tpu.vector_store %arg5[%swap3A_229], %swap3A_232 {strides = array<i32>} : memref<2048xi32, #tpu.memory_space<vmem>>, vector<16xi32>,
      %shift_left3A_233 = arith.constant 10 : i32
      %shift_left3A_234 = arith.shli %and3A_173, %shift_left3A_233 : i32
      %add3A_235 = arith.constant 32 : i32
      %add3A_236 = arith.addi %shift_left3A_234, %add3A_235 : i32
      %mul3A_237 = arith.constant 128 : i32
      %mul3A_238 = arith.muli %scan3A_168, %mul3A_237 : i32
      %add3A_239 = arith.constant 32 : i32
      %add3A_240 = arith.addi %mul3A_238, %add3A_239 : i32
      %get3A_241 = arith.index_cast %add3A_240 : i32 to index
      %get3A_242 = tpu.vector_load %arg5[%get3A_241] {strides = array<i32>} : memref<2048xi32, #tpu.memory_space<vmem>>, vector<16xi32>,
      %get3A_243 = vector.shape_cast %get3A_242 : vector<16xi32> to vector<16xi32>
      %shift_right_arithmetic3A_244 = arith.constant 3 : i32
      %shift_right_arithmetic3A_245 = vector.broadcast %shift_right_arithmetic3A_244 : i32 to vector<16xi32>
      %shift_right_arithmetic3A_246 = arith.shrsi %get3A_243, %shift_right_arithmetic3A_245 : vector<16xi32>
      %shift_left3A_247 = arith.constant 13 : i32
      %shift_left3A_248 = vector.broadcast %shift_left3A_247 : i32 to vector<16xi32>
      %shift_left3A_249 = arith.shli %shift_right_arithmetic3A_246, %shift_left3A_248 : vector<16xi32>
      %and3A_250 = arith.constant 7 : i32
      %and3A_251 = vector.broadcast %and3A_250 : i32 to vector<16xi32>
      %and3A_252 = arith.andi %get3A_243, %and3A_251 : vector<16xi32>
      %shift_left3A_253 = arith.constant 7 : i32
      %shift_left3A_254 = vector.broadcast %shift_left3A_253 : i32 to vector<16xi32>
      %shift_left3A_255 = arith.shli %and3A_252, %shift_left3A_254 : vector<16xi32>
      %add3A_256 = arith.addi %shift_left3A_249, %shift_left3A_255 : vector<16xi32>
      %add3A_257 = vector.broadcast %add3A_236 : i32 to vector<16xi32>
      %add3A_258 = arith.addi %add3A_256, %add3A_257 : vector<16xi32>
      %add3A_259 = arith.addi %add3A_258, %iota3A : vector<16xi32>
      %swap3A_260 = arith.index_cast %add3A_240 : i32 to index
      %swap3A_261 = tpu.vector_load %arg5[%swap3A_260] {strides = array<i32>} : memref<2048xi32, #tpu.memory_space<vmem>>, vector<16xi32>,
      %swap3A_262 = vector.shape_cast %swap3A_261 : vector<16xi32> to vector<16xi32>
      %swap3A_263 = vector.shape_cast %add3A_259 : vector<16xi32> to vector<16xi32>
      tpu.vector_store %arg5[%swap3A_260], %swap3A_263 {strides = array<i32>} : memref<2048xi32, #tpu.memory_space<vmem>>, vector<16xi32>,
      %shift_left3A_264 = arith.constant 10 : i32
      %shift_left3A_265 = arith.shli %and3A_173, %shift_left3A_264 : i32
      %add3A_266 = arith.constant 48 : i32
      %add3A_267 = arith.addi %shift_left3A_265, %add3A_266 : i32
      %mul3A_268 = arith.constant 128 : i32
      %mul3A_269 = arith.muli %scan3A_168, %mul3A_268 : i32
      %add3A_270 = arith.constant 48 : i32
      %add3A_271 = arith.addi %mul3A_269, %add3A_270 : i32
      %get3A_272 = arith.index_cast %add3A_271 : i32 to index
      %get3A_273 = tpu.vector_load %arg5[%get3A_272] {strides = array<i32>} : memref<2048xi32, #tpu.memory_space<vmem>>, vector<16xi32>,
      %get3A_274 = vector.shape_cast %get3A_273 : vector<16xi32> to vector<16xi32>
      %shift_right_arithmetic3A_275 = arith.constant 3 : i32
      %shift_right_arithmetic3A_276 = vector.broadcast %shift_right_arithmetic3A_275 : i32 to vector<16xi32>
      %shift_right_arithmetic3A_277 = arith.shrsi %get3A_274, %shift_right_arithmetic3A_276 : vector<16xi32>
      %shift_left3A_278 = arith.constant 13 : i32
      %shift_left3A_279 = vector.broadcast %shift_left3A_278 : i32 to vector<16xi32>
      %shift_left3A_280 = arith.shli %shift_right_arithmetic3A_277, %shift_left3A_279 : vector<16xi32>
      %and3A_281 = arith.constant 7 : i32
      %and3A_282 = vector.broadcast %and3A_281 : i32 to vector<16xi32>
      %and3A_283 = arith.andi %get3A_274, %and3A_282 : vector<16xi32>
      %shift_left3A_284 = arith.constant 7 : i32
      %shift_left3A_285 = vector.broadcast %shift_left3A_284 : i32 to vector<16xi32>
      %shift_left3A_286 = arith.shli %and3A_283, %shift_left3A_285 : vector<16xi32>
      %add3A_287 = arith.addi %shift_left3A_280, %shift_left3A_286 : vector<16xi32>
      %add3A_288 = vector.broadcast %add3A_267 : i32 to vector<16xi32>
      %add3A_289 = arith.addi %add3A_287, %add3A_288 : vector<16xi32>
      %add3A_290 = arith.addi %add3A_289, %iota3A : vector<16xi32>
      %swap3A_291 = arith.index_cast %add3A_271 : i32 to index
      %swap3A_292 = tpu.vector_load %arg5[%swap3A_291] {strides = array<i32>} : memref<2048xi32, #tpu.memory_space<vmem>>, vector<16xi32>,
      %swap3A_293 = vector.shape_cast %swap3A_292 : vector<16xi32> to vector<16xi32>
      %swap3A_294 = vector.shape_cast %add3A_290 : vector<16xi32> to vector<16xi32>
      tpu.vector_store %arg5[%swap3A_291], %swap3A_294 {strides = array<i32>} : memref<2048xi32, #tpu.memory_space<vmem>>, vector<16xi32>,
      %shift_left3A_295 = arith.constant 10 : i32
      %shift_left3A_296 = arith.shli %and3A_173, %shift_left3A_295 : i32
      %add3A_297 = arith.constant 64 : i32
      %add3A_298 = arith.addi %shift_left3A_296, %add3A_297 : i32
      %mul3A_299 = arith.constant 128 : i32
      %mul3A_300 = arith.muli %scan3A_168, %mul3A_299 : i32
      %add3A_301 = arith.constant 64 : i32
      %add3A_302 = arith.addi %mul3A_300, %add3A_301 : i32
      %get3A_303 = arith.index_cast %add3A_302 : i32 to index
      %get3A_304 = tpu.vector_load %arg5[%get3A_303] {strides = array<i32>} : memref<2048xi32, #tpu.memory_space<vmem>>, vector<16xi32>,
      %get3A_305 = vector.shape_cast %get3A_304 : vector<16xi32> to vector<16xi32>
      %shift_right_arithmetic3A_306 = arith.constant 3 : i32
      %shift_right_arithmetic3A_307 = vector.broadcast %shift_right_arithmetic3A_306 : i32 to vector<16xi32>
      %shift_right_arithmetic3A_308 = arith.shrsi %get3A_305, %shift_right_arithmetic3A_307 : vector<16xi32>
      %shift_left3A_309 = arith.constant 13 : i32
      %shift_left3A_310 = vector.broadcast %shift_left3A_309 : i32 to vector<16xi32>
      %shift_left3A_311 = arith.shli %shift_right_arithmetic3A_308, %shift_left3A_310 : vector<16xi32>
      %and3A_312 = arith.constant 7 : i32
      %and3A_313 = vector.broadcast %and3A_312 : i32 to vector<16xi32>
      %and3A_314 = arith.andi %get3A_305, %and3A_313 : vector<16xi32>
      %shift_left3A_315 = arith.constant 7 : i32
      %shift_left3A_316 = vector.broadcast %shift_left3A_315 : i32 to vector<16xi32>
      %shift_left3A_317 = arith.shli %and3A_314, %shift_left3A_316 : vector<16xi32>
      %add3A_318 = arith.addi %shift_left3A_311, %shift_left3A_317 : vector<16xi32>
      %add3A_319 = vector.broadcast %add3A_298 : i32 to vector<16xi32>
      %add3A_320 = arith.addi %add3A_318, %add3A_319 : vector<16xi32>
      %add3A_321 = arith.addi %add3A_320, %iota3A : vector<16xi32>
      %swap3A_322 = arith.index_cast %add3A_302 : i32 to index
      %swap3A_323 = tpu.vector_load %arg5[%swap3A_322] {strides = array<i32>} : memref<2048xi32, #tpu.memory_space<vmem>>, vector<16xi32>,
      %swap3A_324 = vector.shape_cast %swap3A_323 : vector<16xi32> to vector<16xi32>
      %swap3A_325 = vector.shape_cast %add3A_321 : vector<16xi32> to vector<16xi32>
      tpu.vector_store %arg5[%swap3A_322], %swap3A_325 {strides = array<i32>} : memref<2048xi32, #tpu.memory_space<vmem>>, vector<16xi32>,
      %shift_left3A_326 = arith.constant 10 : i32
      %shift_left3A_327 = arith.shli %and3A_173, %shift_left3A_326 : i32
      %add3A_328 = arith.constant 80 : i32
      %add3A_329 = arith.addi %shift_left3A_327, %add3A_328 : i32
      %mul3A_330 = arith.constant 128 : i32
      %mul3A_331 = arith.muli %scan3A_168, %mul3A_330 : i32
      %add3A_332 = arith.constant 80 : i32
      %add3A_333 = arith.addi %mul3A_331, %add3A_332 : i32
      %get3A_334 = arith.index_cast %add3A_333 : i32 to index
      %get3A_335 = tpu.vector_load %arg5[%get3A_334] {strides = array<i32>} : memref<2048xi32, #tpu.memory_space<vmem>>, vector<16xi32>,
      %get3A_336 = vector.shape_cast %get3A_335 : vector<16xi32> to vector<16xi32>
      %shift_right_arithmetic3A_337 = arith.constant 3 : i32
      %shift_right_arithmetic3A_338 = vector.broadcast %shift_right_arithmetic3A_337 : i32 to vector<16xi32>
      %shift_right_arithmetic3A_339 = arith.shrsi %get3A_336, %shift_right_arithmetic3A_338 : vector<16xi32>
      %shift_left3A_340 = arith.constant 13 : i32
      %shift_left3A_341 = vector.broadcast %shift_left3A_340 : i32 to vector<16xi32>
      %shift_left3A_342 = arith.shli %shift_right_arithmetic3A_339, %shift_left3A_341 : vector<16xi32>
      %and3A_343 = arith.constant 7 : i32
      %and3A_344 = vector.broadcast %and3A_343 : i32 to vector<16xi32>
      %and3A_345 = arith.andi %get3A_336, %and3A_344 : vector<16xi32>
      %shift_left3A_346 = arith.constant 7 : i32
      %shift_left3A_347 = vector.broadcast %shift_left3A_346 : i32 to vector<16xi32>
      %shift_left3A_348 = arith.shli %and3A_345, %shift_left3A_347 : vector<16xi32>
      %add3A_349 = arith.addi %shift_left3A_342, %shift_left3A_348 : vector<16xi32>
      %add3A_350 = vector.broadcast %add3A_329 : i32 to vector<16xi32>
      %add3A_351 = arith.addi %add3A_349, %add3A_350 : vector<16xi32>
      %add3A_352 = arith.addi %add3A_351, %iota3A : vector<16xi32>
      %swap3A_353 = arith.index_cast %add3A_333 : i32 to index
      %swap3A_354 = tpu.vector_load %arg5[%swap3A_353] {strides = array<i32>} : memref<2048xi32, #tpu.memory_space<vmem>>, vector<16xi32>,
      %swap3A_355 = vector.shape_cast %swap3A_354 : vector<16xi32> to vector<16xi32>
      %swap3A_356 = vector.shape_cast %add3A_352 : vector<16xi32> to vector<16xi32>
      tpu.vector_store %arg5[%swap3A_353], %swap3A_356 {strides = array<i32>} : memref<2048xi32, #tpu.memory_space<vmem>>, vector<16xi32>,
      %shift_left3A_357 = arith.constant 10 : i32
      %shift_left3A_358 = arith.shli %and3A_173, %shift_left3A_357 : i32
      %add3A_359 = arith.constant 96 : i32
      %add3A_360 = arith.addi %shift_left3A_358, %add3A_359 : i32
      %mul3A_361 = arith.constant 128 : i32
      %mul3A_362 = arith.muli %scan3A_168, %mul3A_361 : i32
      %add3A_363 = arith.constant 96 : i32
      %add3A_364 = arith.addi %mul3A_362, %add3A_363 : i32
      %get3A_365 = arith.index_cast %add3A_364 : i32 to index
      %get3A_366 = tpu.vector_load %arg5[%get3A_365] {strides = array<i32>} : memref<2048xi32, #tpu.memory_space<vmem>>, vector<16xi32>,
      %get3A_367 = vector.shape_cast %get3A_366 : vector<16xi32> to vector<16xi32>
      %shift_right_arithmetic3A_368 = arith.constant 3 : i32
      %shift_right_arithmetic3A_369 = vector.broadcast %shift_right_arithmetic3A_368 : i32 to vector<16xi32>
      %shift_right_arithmetic3A_370 = arith.shrsi %get3A_367, %shift_right_arithmetic3A_369 : vector<16xi32>
      %shift_left3A_371 = arith.constant 13 : i32
      %shift_left3A_372 = vector.broadcast %shift_left3A_371 : i32 to vector<16xi32>
      %shift_left3A_373 = arith.shli %shift_right_arithmetic3A_370, %shift_left3A_372 : vector<16xi32>
      %and3A_374 = arith.constant 7 : i32
      %and3A_375 = vector.broadcast %and3A_374 : i32 to vector<16xi32>
      %and3A_376 = arith.andi %get3A_367, %and3A_375 : vector<16xi32>
      %shift_left3A_377 = arith.constant 7 : i32
      %shift_left3A_378 = vector.broadcast %shift_left3A_377 : i32 to vector<16xi32>
      %shift_left3A_379 = arith.shli %and3A_376, %shift_left3A_378 : vector<16xi32>
      %add3A_380 = arith.addi %shift_left3A_373, %shift_left3A_379 : vector<16xi32>
      %add3A_381 = vector.broadcast %add3A_360 : i32 to vector<16xi32>
      %add3A_382 = arith.addi %add3A_380, %add3A_381 : vector<16xi32>
      %add3A_383 = arith.addi %add3A_382, %iota3A : vector<16xi32>
      %swap3A_384 = arith.index_cast %add3A_364 : i32 to index
      %swap3A_385 = tpu.vector_load %arg5[%swap3A_384] {strides = array<i32>} : memref<2048xi32, #tpu.memory_space<vmem>>, vector<16xi32>,
      %swap3A_386 = vector.shape_cast %swap3A_385 : vector<16xi32> to vector<16xi32>
      %swap3A_387 = vector.shape_cast %add3A_383 : vector<16xi32> to vector<16xi32>
      tpu.vector_store %arg5[%swap3A_384], %swap3A_387 {strides = array<i32>} : memref<2048xi32, #tpu.memory_space<vmem>>, vector<16xi32>,
      %shift_left3A_388 = arith.constant 10 : i32
      %shift_left3A_389 = arith.shli %and3A_173, %shift_left3A_388 : i32
      %add3A_390 = arith.constant 112 : i32
      %add3A_391 = arith.addi %shift_left3A_389, %add3A_390 : i32
      %mul3A_392 = arith.constant 128 : i32
      %mul3A_393 = arith.muli %scan3A_168, %mul3A_392 : i32
      %add3A_394 = arith.constant 112 : i32
      %add3A_395 = arith.addi %mul3A_393, %add3A_394 : i32
      %get3A_396 = arith.index_cast %add3A_395 : i32 to index
      %get3A_397 = tpu.vector_load %arg5[%get3A_396] {strides = array<i32>} : memref<2048xi32, #tpu.memory_space<vmem>>, vector<16xi32>,
      %get3A_398 = vector.shape_cast %get3A_397 : vector<16xi32> to vector<16xi32>
      %shift_right_arithmetic3A_399 = arith.constant 3 : i32
      %shift_right_arithmetic3A_400 = vector.broadcast %shift_right_arithmetic3A_399 : i32 to vector<16xi32>
      %shift_right_arithmetic3A_401 = arith.shrsi %get3A_398, %shift_right_arithmetic3A_400 : vector<16xi32>
      %shift_left3A_402 = arith.constant 13 : i32
      %shift_left3A_403 = vector.broadcast %shift_left3A_402 : i32 to vector<16xi32>
      %shift_left3A_404 = arith.shli %shift_right_arithmetic3A_401, %shift_left3A_403 : vector<16xi32>
      %and3A_405 = arith.constant 7 : i32
      %and3A_406 = vector.broadcast %and3A_405 : i32 to vector<16xi32>
      %and3A_407 = arith.andi %get3A_398, %and3A_406 : vector<16xi32>
      %shift_left3A_408 = arith.constant 7 : i32
      %shift_left3A_409 = vector.broadcast %shift_left3A_408 : i32 to vector<16xi32>
      %shift_left3A_410 = arith.shli %and3A_407, %shift_left3A_409 : vector<16xi32>
      %add3A_411 = arith.addi %shift_left3A_404, %shift_left3A_410 : vector<16xi32>
      %add3A_412 = vector.broadcast %add3A_391 : i32 to vector<16xi32>
      %add3A_413 = arith.addi %add3A_411, %add3A_412 : vector<16xi32>
      %add3A_414 = arith.addi %add3A_413, %iota3A : vector<16xi32>
      %swap3A_415 = arith.index_cast %add3A_395 : i32 to index
      %swap3A_416 = tpu.vector_load %arg5[%swap3A_415] {strides = array<i32>} : memref<2048xi32, #tpu.memory_space<vmem>>, vector<16xi32>,
      %swap3A_417 = vector.shape_cast %swap3A_416 : vector<16xi32> to vector<16xi32>
      %swap3A_418 = vector.shape_cast %add3A_414 : vector<16xi32> to vector<16xi32>
      tpu.vector_store %arg5[%swap3A_415], %swap3A_418 {strides = array<i32>} : memref<2048xi32, #tpu.memory_space<vmem>>, vector<16xi32>,
      %mul3A_419 = arith.constant 128 : i32
      %mul3A_420 = arith.muli %scan3A_168, %mul3A_419 : i32
      %mul3A_421 = arith.constant 128 : i32
      %mul3A_422 = arith.muli %scan3A_168, %mul3A_421 : i32
      %dma_start3A_423 = tpu.memref_slice %arg6[%mul3A_422] : memref<2048xf32, #tpu.memory_space<vmem>> -> memref<128xf32, #tpu.memory_space<vmem>>
      %dma_start3A_424 = tpu.memref_slice %arg5[%mul3A_420] : memref<2048xi32, #tpu.memory_space<vmem>> -> memref<128xi32, #tpu.memory_space<vmem>>
      %dma_start3A_425 = arith.constant 0 : i32
      %dma_start3A_426 = tpu.memref_slice %arg2[%dma_start3A_425] : memref<102400000xf32, #tpu.memory_space<hbm>> -> memref<102400000xf32, #tpu.memory_space<hbm>>
      tpu.enqueue_indirect_dma source(%dma_start3A_426 : memref<102400000xf32, #tpu.memory_space<hbm>>) target(%dma_start3A_423 : memref<128xf32, #tpu.memory_space<vmem>>) offsets(%dma_start3A_424 : memref<128xi32, #tpu.memory_space<vmem>>) semaphore(%arg9 : memref<!tpu.dma_semaphore, #tpu.memory_space<semaphore_mem>>)
    }
    %scan3A_43 = arith.constant 4 : i32
    %dma_wait3A_44 = arith.constant 512 : i32
    %dma_wait3A_45 = tpu.memref_slice %arg5[%dma_wait3A_44] : memref<2048xi32, #tpu.memory_space<vmem>> -> memref<512xi32, #tpu.memory_space<vmem>>
    %dma_wait3A_46 = tpu.memref_slice %arg3[%add3A_11] : memref<65536xi32, #tpu.memory_space<hbm>> -> memref<512xi32, #tpu.memory_space<hbm>>
    %dma_wait3A_47 = arith.constant 512 : i32
    %dma_wait3A_48 = tpu.memref_slice %arg5[%dma_wait3A_47] : memref<2048xi32, #tpu.memory_space<vmem>> -> memref<512xi32, #tpu.memory_space<vmem>>
    %dma_wait3A_49 = tpu.memref_slice %arg3[%add3A_11] : memref<65536xi32, #tpu.memory_space<hbm>> -> memref<512xi32, #tpu.memory_space<hbm>>
    tpu.wait_dma2 semaphore(%arg7 : memref<!tpu.dma_semaphore, #tpu.memory_space<semaphore_mem>>) src(%dma_wait3A_49 : memref<512xi32, #tpu.memory_space<hbm>>) dst(%dma_wait3A_48 : memref<512xi32, #tpu.memory_space<vmem>>)
    %scan3A_50 = arith.constant 0 : i32
    %scan3A_51 = arith.constant 4 : i32
    %scan3A_52 = arith.constant 4 : i32
    %scan3A_53 = arith.addi %scan3A_51, %scan3A_52 : i32
    %scan3A_54 = arith.constant 1 : i32
    scf.for %scan3A_168 = %scan3A_51 to %scan3A_53 step %scan3A_54  : i32 {
      %mul3A_169 = arith.constant 128 : i32
      %mul3A_170 = arith.muli %scan3A_168, %mul3A_169 : i32
      %add3A_171 = arith.addi %mul3A_2, %mul3A_170 : i32
      %shift_right_arithmetic3A = arith.constant 10 : i32
      %shift_right_arithmetic3A_172 = arith.shrsi %add3A_171, %shift_right_arithmetic3A : i32
      %and3A = arith.constant 7 : i32
      %and3A_173 = arith.andi %shift_right_arithmetic3A_172, %and3A : i32
      %shift_left3A = arith.constant 10 : i32
      %shift_left3A_174 = arith.shli %and3A_173, %shift_left3A : i32
      %add3A_175 = arith.constant 0 : i32
      %add3A_176 = arith.addi %shift_left3A_174, %add3A_175 : i32
      %mul3A_177 = arith.constant 128 : i32
      %mul3A_178 = arith.muli %scan3A_168, %mul3A_177 : i32
      %add3A_179 = arith.constant 0 : i32
      %add3A_180 = arith.addi %mul3A_178, %add3A_179 : i32
      %get3A = arith.index_cast %add3A_180 : i32 to index
      %get3A_181 = tpu.vector_load %arg5[%get3A] {strides = array<i32>} : memref<2048xi32, #tpu.memory_space<vmem>>, vector<16xi32>,
      %get3A_182 = vector.shape_cast %get3A_181 : vector<16xi32> to vector<16xi32>
      %shift_right_arithmetic3A_183 = arith.constant 3 : i32
      %shift_right_arithmetic3A_184 = vector.broadcast %shift_right_arithmetic3A_183 : i32 to vector<16xi32>
      %shift_right_arithmetic3A_185 = arith.shrsi %get3A_182, %shift_right_arithmetic3A_184 : vector<16xi32>
      %shift_left3A_186 = arith.constant 13 : i32
      %shift_left3A_187 = vector.broadcast %shift_left3A_186 : i32 to vector<16xi32>
      %shift_left3A_188 = arith.shli %shift_right_arithmetic3A_185, %shift_left3A_187 : vector<16xi32>
      %and3A_189 = arith.constant 7 : i32
      %and3A_190 = vector.broadcast %and3A_189 : i32 to vector<16xi32>
      %and3A_191 = arith.andi %get3A_182, %and3A_190 : vector<16xi32>
      %shift_left3A_192 = arith.constant 7 : i32
      %shift_left3A_193 = vector.broadcast %shift_left3A_192 : i32 to vector<16xi32>
      %shift_left3A_194 = arith.shli %and3A_191, %shift_left3A_193 : vector<16xi32>
      %add3A_195 = arith.addi %shift_left3A_188, %shift_left3A_194 : vector<16xi32>
      %add3A_196 = vector.broadcast %add3A_176 : i32 to vector<16xi32>
      %add3A_197 = arith.addi %add3A_195, %add3A_196 : vector<16xi32>
      %add3A_198 = arith.addi %add3A_197, %iota3A : vector<16xi32>
      %swap3A = arith.index_cast %add3A_180 : i32 to index
      %swap3A_199 = tpu.vector_load %arg5[%swap3A] {strides = array<i32>} : memref<2048xi32, #tpu.memory_space<vmem>>, vector<16xi32>,
      %swap3A_200 = vector.shape_cast %swap3A_199 : vector<16xi32> to vector<16xi32>
      %swap3A_201 = vector.shape_cast %add3A_198 : vector<16xi32> to vector<16xi32>
      tpu.vector_store %arg5[%swap3A], %swap3A_201 {strides = array<i32>} : memref<2048xi32, #tpu.memory_space<vmem>>, vector<16xi32>,
      %shift_left3A_202 = arith.constant 10 : i32
      %shift_left3A_203 = arith.shli %and3A_173, %shift_left3A_202 : i32
      %add3A_204 = arith.constant 16 : i32
      %add3A_205 = arith.addi %shift_left3A_203, %add3A_204 : i32
      %mul3A_206 = arith.constant 128 : i32
      %mul3A_207 = arith.muli %scan3A_168, %mul3A_206 : i32
      %add3A_208 = arith.constant 16 : i32
      %add3A_209 = arith.addi %mul3A_207, %add3A_208 : i32
      %get3A_210 = arith.index_cast %add3A_209 : i32 to index
      %get3A_211 = tpu.vector_load %arg5[%get3A_210] {strides = array<i32>} : memref<2048xi32, #tpu.memory_space<vmem>>, vector<16xi32>,
      %get3A_212 = vector.shape_cast %get3A_211 : vector<16xi32> to vector<16xi32>
      %shift_right_arithmetic3A_213 = arith.constant 3 : i32
      %shift_right_arithmetic3A_214 = vector.broadcast %shift_right_arithmetic3A_213 : i32 to vector<16xi32>
      %shift_right_arithmetic3A_215 = arith.shrsi %get3A_212, %shift_right_arithmetic3A_214 : vector<16xi32>
      %shift_left3A_216 = arith.constant 13 : i32
      %shift_left3A_217 = vector.broadcast %shift_left3A_216 : i32 to vector<16xi32>
      %shift_left3A_218 = arith.shli %shift_right_arithmetic3A_215, %shift_left3A_217 : vector<16xi32>
      %and3A_219 = arith.constant 7 : i32
      %and3A_220 = vector.broadcast %and3A_219 : i32 to vector<16xi32>
      %and3A_221 = arith.andi %get3A_212, %and3A_220 : vector<16xi32>
      %shift_left3A_222 = arith.constant 7 : i32
      %shift_left3A_223 = vector.broadcast %shift_left3A_222 : i32 to vector<16xi32>
      %shift_left3A_224 = arith.shli %and3A_221, %shift_left3A_223 : vector<16xi32>
      %add3A_225 = arith.addi %shift_left3A_218, %shift_left3A_224 : vector<16xi32>
      %add3A_226 = vector.broadcast %add3A_205 : i32 to vector<16xi32>
      %add3A_227 = arith.addi %add3A_225, %add3A_226 : vector<16xi32>
      %add3A_228 = arith.addi %add3A_227, %iota3A : vector<16xi32>
      %swap3A_229 = arith.index_cast %add3A_209 : i32 to index
      %swap3A_230 = tpu.vector_load %arg5[%swap3A_229] {strides = array<i32>} : memref<2048xi32, #tpu.memory_space<vmem>>, vector<16xi32>,
      %swap3A_231 = vector.shape_cast %swap3A_230 : vector<16xi32> to vector<16xi32>
      %swap3A_232 = vector.shape_cast %add3A_228 : vector<16xi32> to vector<16xi32>
      tpu.vector_store %arg5[%swap3A_229], %swap3A_232 {strides = array<i32>} : memref<2048xi32, #tpu.memory_space<vmem>>, vector<16xi32>,
      %shift_left3A_233 = arith.constant 10 : i32
      %shift_left3A_234 = arith.shli %and3A_173, %shift_left3A_233 : i32
      %add3A_235 = arith.constant 32 : i32
      %add3A_236 = arith.addi %shift_left3A_234, %add3A_235 : i32
      %mul3A_237 = arith.constant 128 : i32
      %mul3A_238 = arith.muli %scan3A_168, %mul3A_237 : i32
      %add3A_239 = arith.constant 32 : i32
      %add3A_240 = arith.addi %mul3A_238, %add3A_239 : i32
      %get3A_241 = arith.index_cast %add3A_240 : i32 to index
      %get3A_242 = tpu.vector_load %arg5[%get3A_241] {strides = array<i32>} : memref<2048xi32, #tpu.memory_space<vmem>>, vector<16xi32>,
      %get3A_243 = vector.shape_cast %get3A_242 : vector<16xi32> to vector<16xi32>
      %shift_right_arithmetic3A_244 = arith.constant 3 : i32
      %shift_right_arithmetic3A_245 = vector.broadcast %shift_right_arithmetic3A_244 : i32 to vector<16xi32>
      %shift_right_arithmetic3A_246 = arith.shrsi %get3A_243, %shift_right_arithmetic3A_245 : vector<16xi32>
      %shift_left3A_247 = arith.constant 13 : i32
      %shift_left3A_248 = vector.broadcast %shift_left3A_247 : i32 to vector<16xi32>
      %shift_left3A_249 = arith.shli %shift_right_arithmetic3A_246, %shift_left3A_248 : vector<16xi32>
      %and3A_250 = arith.constant 7 : i32
      %and3A_251 = vector.broadcast %and3A_250 : i32 to vector<16xi32>
      %and3A_252 = arith.andi %get3A_243, %and3A_251 : vector<16xi32>
      %shift_left3A_253 = arith.constant 7 : i32
      %shift_left3A_254 = vector.broadcast %shift_left3A_253 : i32 to vector<16xi32>
      %shift_left3A_255 = arith.shli %and3A_252, %shift_left3A_254 : vector<16xi32>
      %add3A_256 = arith.addi %shift_left3A_249, %shift_left3A_255 : vector<16xi32>
      %add3A_257 = vector.broadcast %add3A_236 : i32 to vector<16xi32>
      %add3A_258 = arith.addi %add3A_256, %add3A_257 : vector<16xi32>
      %add3A_259 = arith.addi %add3A_258, %iota3A : vector<16xi32>
      %swap3A_260 = arith.index_cast %add3A_240 : i32 to index
      %swap3A_261 = tpu.vector_load %arg5[%swap3A_260] {strides = array<i32>} : memref<2048xi32, #tpu.memory_space<vmem>>, vector<16xi32>,
      %swap3A_262 = vector.shape_cast %swap3A_261 : vector<16xi32> to vector<16xi32>
      %swap3A_263 = vector.shape_cast %add3A_259 : vector<16xi32> to vector<16xi32>
      tpu.vector_store %arg5[%swap3A_260], %swap3A_263 {strides = array<i32>} : memref<2048xi32, #tpu.memory_space<vmem>>, vector<16xi32>,
      %shift_left3A_264 = arith.constant 10 : i32
      %shift_left3A_265 = arith.shli %and3A_173, %shift_left3A_264 : i32
      %add3A_266 = arith.constant 48 : i32
      %add3A_267 = arith.addi %shift_left3A_265, %add3A_266 : i32
      %mul3A_268 = arith.constant 128 : i32
      %mul3A_269 = arith.muli %scan3A_168, %mul3A_268 : i32
      %add3A_270 = arith.constant 48 : i32
      %add3A_271 = arith.addi %mul3A_269, %add3A_270 : i32
      %get3A_272 = arith.index_cast %add3A_271 : i32 to index
      %get3A_273 = tpu.vector_load %arg5[%get3A_272] {strides = array<i32>} : memref<2048xi32, #tpu.memory_space<vmem>>, vector<16xi32>,
      %get3A_274 = vector.shape_cast %get3A_273 : vector<16xi32> to vector<16xi32>
      %shift_right_arithmetic3A_275 = arith.constant 3 : i32
      %shift_right_arithmetic3A_276 = vector.broadcast %shift_right_arithmetic3A_275 : i32 to vector<16xi32>
      %shift_right_arithmetic3A_277 = arith.shrsi %get3A_274, %shift_right_arithmetic3A_276 : vector<16xi32>
      %shift_left3A_278 = arith.constant 13 : i32
      %shift_left3A_279 = vector.broadcast %shift_left3A_278 : i32 to vector<16xi32>
      %shift_left3A_280 = arith.shli %shift_right_arithmetic3A_277, %shift_left3A_279 : vector<16xi32>
      %and3A_281 = arith.constant 7 : i32
      %and3A_282 = vector.broadcast %and3A_281 : i32 to vector<16xi32>
      %and3A_283 = arith.andi %get3A_274, %and3A_282 : vector<16xi32>
      %shift_left3A_284 = arith.constant 7 : i32
      %shift_left3A_285 = vector.broadcast %shift_left3A_284 : i32 to vector<16xi32>
      %shift_left3A_286 = arith.shli %and3A_283, %shift_left3A_285 : vector<16xi32>
      %add3A_287 = arith.addi %shift_left3A_280, %shift_left3A_286 : vector<16xi32>
      %add3A_288 = vector.broadcast %add3A_267 : i32 to vector<16xi32>
      %add3A_289 = arith.addi %add3A_287, %add3A_288 : vector<16xi32>
      %add3A_290 = arith.addi %add3A_289, %iota3A : vector<16xi32>
      %swap3A_291 = arith.index_cast %add3A_271 : i32 to index
      %swap3A_292 = tpu.vector_load %arg5[%swap3A_291] {strides = array<i32>} : memref<2048xi32, #tpu.memory_space<vmem>>, vector<16xi32>,
      %swap3A_293 = vector.shape_cast %swap3A_292 : vector<16xi32> to vector<16xi32>
      %swap3A_294 = vector.shape_cast %add3A_290 : vector<16xi32> to vector<16xi32>
      tpu.vector_store %arg5[%swap3A_291], %swap3A_294 {strides = array<i32>} : memref<2048xi32, #tpu.memory_space<vmem>>, vector<16xi32>,
      %shift_left3A_295 = arith.constant 10 : i32
      %shift_left3A_296 = arith.shli %and3A_173, %shift_left3A_295 : i32
      %add3A_297 = arith.constant 64 : i32
      %add3A_298 = arith.addi %shift_left3A_296, %add3A_297 : i32
      %mul3A_299 = arith.constant 128 : i32
      %mul3A_300 = arith.muli %scan3A_168, %mul3A_299 : i32
      %add3A_301 = arith.constant 64 : i32
      %add3A_302 = arith.addi %mul3A_300, %add3A_301 : i32
      %get3A_303 = arith.index_cast %add3A_302 : i32 to index
      %get3A_304 = tpu.vector_load %arg5[%get3A_303] {strides = array<i32>} : memref<2048xi32, #tpu.memory_space<vmem>>, vector<16xi32>,
      %get3A_305 = vector.shape_cast %get3A_304 : vector<16xi32> to vector<16xi32>
      %shift_right_arithmetic3A_306 = arith.constant 3 : i32
      %shift_right_arithmetic3A_307 = vector.broadcast %shift_right_arithmetic3A_306 : i32 to vector<16xi32>
      %shift_right_arithmetic3A_308 = arith.shrsi %get3A_305, %shift_right_arithmetic3A_307 : vector<16xi32>
      %shift_left3A_309 = arith.constant 13 : i32
      %shift_left3A_310 = vector.broadcast %shift_left3A_309 : i32 to vector<16xi32>
      %shift_left3A_311 = arith.shli %shift_right_arithmetic3A_308, %shift_left3A_310 : vector<16xi32>
      %and3A_312 = arith.constant 7 : i32
      %and3A_313 = vector.broadcast %and3A_312 : i32 to vector<16xi32>
      %and3A_314 = arith.andi %get3A_305, %and3A_313 : vector<16xi32>
      %shift_left3A_315 = arith.constant 7 : i32
      %shift_left3A_316 = vector.broadcast %shift_left3A_315 : i32 to vector<16xi32>
      %shift_left3A_317 = arith.shli %and3A_314, %shift_left3A_316 : vector<16xi32>
      %add3A_318 = arith.addi %shift_left3A_311, %shift_left3A_317 : vector<16xi32>
      %add3A_319 = vector.broadcast %add3A_298 : i32 to vector<16xi32>
      %add3A_320 = arith.addi %add3A_318, %add3A_319 : vector<16xi32>
      %add3A_321 = arith.addi %add3A_320, %iota3A : vector<16xi32>
      %swap3A_322 = arith.index_cast %add3A_302 : i32 to index
      %swap3A_323 = tpu.vector_load %arg5[%swap3A_322] {strides = array<i32>} : memref<2048xi32, #tpu.memory_space<vmem>>, vector<16xi32>,
      %swap3A_324 = vector.shape_cast %swap3A_323 : vector<16xi32> to vector<16xi32>
      %swap3A_325 = vector.shape_cast %add3A_321 : vector<16xi32> to vector<16xi32>
      tpu.vector_store %arg5[%swap3A_322], %swap3A_325 {strides = array<i32>} : memref<2048xi32, #tpu.memory_space<vmem>>, vector<16xi32>,
      %shift_left3A_326 = arith.constant 10 : i32
      %shift_left3A_327 = arith.shli %and3A_173, %shift_left3A_326 : i32
      %add3A_328 = arith.constant 80 : i32
      %add3A_329 = arith.addi %shift_left3A_327, %add3A_328 : i32
      %mul3A_330 = arith.constant 128 : i32
      %mul3A_331 = arith.muli %scan3A_168, %mul3A_330 : i32
      %add3A_332 = arith.constant 80 : i32
      %add3A_333 = arith.addi %mul3A_331, %add3A_332 : i32
      %get3A_334 = arith.index_cast %add3A_333 : i32 to index
      %get3A_335 = tpu.vector_load %arg5[%get3A_334] {strides = array<i32>} : memref<2048xi32, #tpu.memory_space<vmem>>, vector<16xi32>,
      %get3A_336 = vector.shape_cast %get3A_335 : vector<16xi32> to vector<16xi32>
      %shift_right_arithmetic3A_337 = arith.constant 3 : i32
      %shift_right_arithmetic3A_338 = vector.broadcast %shift_right_arithmetic3A_337 : i32 to vector<16xi32>
      %shift_right_arithmetic3A_339 = arith.shrsi %get3A_336, %shift_right_arithmetic3A_338 : vector<16xi32>
      %shift_left3A_340 = arith.constant 13 : i32
      %shift_left3A_341 = vector.broadcast %shift_left3A_340 : i32 to vector<16xi32>
      %shift_left3A_342 = arith.shli %shift_right_arithmetic3A_339, %shift_left3A_341 : vector<16xi32>
      %and3A_343 = arith.constant 7 : i32
      %and3A_344 = vector.broadcast %and3A_343 : i32 to vector<16xi32>
      %and3A_345 = arith.andi %get3A_336, %and3A_344 : vector<16xi32>
      %shift_left3A_346 = arith.constant 7 : i32
      %shift_left3A_347 = vector.broadcast %shift_left3A_346 : i32 to vector<16xi32>
      %shift_left3A_348 = arith.shli %and3A_345, %shift_left3A_347 : vector<16xi32>
      %add3A_349 = arith.addi %shift_left3A_342, %shift_left3A_348 : vector<16xi32>
      %add3A_350 = vector.broadcast %add3A_329 : i32 to vector<16xi32>
      %add3A_351 = arith.addi %add3A_349, %add3A_350 : vector<16xi32>
      %add3A_352 = arith.addi %add3A_351, %iota3A : vector<16xi32>
      %swap3A_353 = arith.index_cast %add3A_333 : i32 to index
      %swap3A_354 = tpu.vector_load %arg5[%swap3A_353] {strides = array<i32>} : memref<2048xi32, #tpu.memory_space<vmem>>, vector<16xi32>,
      %swap3A_355 = vector.shape_cast %swap3A_354 : vector<16xi32> to vector<16xi32>
      %swap3A_356 = vector.shape_cast %add3A_352 : vector<16xi32> to vector<16xi32>
      tpu.vector_store %arg5[%swap3A_353], %swap3A_356 {strides = array<i32>} : memref<2048xi32, #tpu.memory_space<vmem>>, vector<16xi32>,
      %shift_left3A_357 = arith.constant 10 : i32
      %shift_left3A_358 = arith.shli %and3A_173, %shift_left3A_357 : i32
      %add3A_359 = arith.constant 96 : i32
      %add3A_360 = arith.addi %shift_left3A_358, %add3A_359 : i32
      %mul3A_361 = arith.constant 128 : i32
      %mul3A_362 = arith.muli %scan3A_168, %mul3A_361 : i32
      %add3A_363 = arith.constant 96 : i32
      %add3A_364 = arith.addi %mul3A_362, %add3A_363 : i32
      %get3A_365 = arith.index_cast %add3A_364 : i32 to index
      %get3A_366 = tpu.vector_load %arg5[%get3A_365] {strides = array<i32>} : memref<2048xi32, #tpu.memory_space<vmem>>, vector<16xi32>,
      %get3A_367 = vector.shape_cast %get3A_366 : vector<16xi32> to vector<16xi32>
      %shift_right_arithmetic3A_368 = arith.constant 3 : i32
      %shift_right_arithmetic3A_369 = vector.broadcast %shift_right_arithmetic3A_368 : i32 to vector<16xi32>
      %shift_right_arithmetic3A_370 = arith.shrsi %get3A_367, %shift_right_arithmetic3A_369 : vector<16xi32>
      %shift_left3A_371 = arith.constant 13 : i32
      %shift_left3A_372 = vector.broadcast %shift_left3A_371 : i32 to vector<16xi32>
      %shift_left3A_373 = arith.shli %shift_right_arithmetic3A_370, %shift_left3A_372 : vector<16xi32>
      %and3A_374 = arith.constant 7 : i32
      %and3A_375 = vector.broadcast %and3A_374 : i32 to vector<16xi32>
      %and3A_376 = arith.andi %get3A_367, %and3A_375 : vector<16xi32>
      %shift_left3A_377 = arith.constant 7 : i32
      %shift_left3A_378 = vector.broadcast %shift_left3A_377 : i32 to vector<16xi32>
      %shift_left3A_379 = arith.shli %and3A_376, %shift_left3A_378 : vector<16xi32>
      %add3A_380 = arith.addi %shift_left3A_373, %shift_left3A_379 : vector<16xi32>
      %add3A_381 = vector.broadcast %add3A_360 : i32 to vector<16xi32>
      %add3A_382 = arith.addi %add3A_380, %add3A_381 : vector<16xi32>
      %add3A_383 = arith.addi %add3A_382, %iota3A : vector<16xi32>
      %swap3A_384 = arith.index_cast %add3A_364 : i32 to index
      %swap3A_385 = tpu.vector_load %arg5[%swap3A_384] {strides = array<i32>} : memref<2048xi32, #tpu.memory_space<vmem>>, vector<16xi32>,
      %swap3A_386 = vector.shape_cast %swap3A_385 : vector<16xi32> to vector<16xi32>
      %swap3A_387 = vector.shape_cast %add3A_383 : vector<16xi32> to vector<16xi32>
      tpu.vector_store %arg5[%swap3A_384], %swap3A_387 {strides = array<i32>} : memref<2048xi32, #tpu.memory_space<vmem>>, vector<16xi32>,
      %shift_left3A_388 = arith.constant 10 : i32
      %shift_left3A_389 = arith.shli %and3A_173, %shift_left3A_388 : i32
      %add3A_390 = arith.constant 112 : i32
      %add3A_391 = arith.addi %shift_left3A_389, %add3A_390 : i32
      %mul3A_392 = arith.constant 128 : i32
      %mul3A_393 = arith.muli %scan3A_168, %mul3A_392 : i32
      %add3A_394 = arith.constant 112 : i32
      %add3A_395 = arith.addi %mul3A_393, %add3A_394 : i32
      %get3A_396 = arith.index_cast %add3A_395 : i32 to index
      %get3A_397 = tpu.vector_load %arg5[%get3A_396] {strides = array<i32>} : memref<2048xi32, #tpu.memory_space<vmem>>, vector<16xi32>,
      %get3A_398 = vector.shape_cast %get3A_397 : vector<16xi32> to vector<16xi32>
      %shift_right_arithmetic3A_399 = arith.constant 3 : i32
      %shift_right_arithmetic3A_400 = vector.broadcast %shift_right_arithmetic3A_399 : i32 to vector<16xi32>
      %shift_right_arithmetic3A_401 = arith.shrsi %get3A_398, %shift_right_arithmetic3A_400 : vector<16xi32>
      %shift_left3A_402 = arith.constant 13 : i32
      %shift_left3A_403 = vector.broadcast %shift_left3A_402 : i32 to vector<16xi32>
      %shift_left3A_404 = arith.shli %shift_right_arithmetic3A_401, %shift_left3A_403 : vector<16xi32>
      %and3A_405 = arith.constant 7 : i32
      %and3A_406 = vector.broadcast %and3A_405 : i32 to vector<16xi32>
      %and3A_407 = arith.andi %get3A_398, %and3A_406 : vector<16xi32>
      %shift_left3A_408 = arith.constant 7 : i32
      %shift_left3A_409 = vector.broadcast %shift_left3A_408 : i32 to vector<16xi32>
      %shift_left3A_410 = arith.shli %and3A_407, %shift_left3A_409 : vector<16xi32>
      %add3A_411 = arith.addi %shift_left3A_404, %shift_left3A_410 : vector<16xi32>
      %add3A_412 = vector.broadcast %add3A_391 : i32 to vector<16xi32>
      %add3A_413 = arith.addi %add3A_411, %add3A_412 : vector<16xi32>
      %add3A_414 = arith.addi %add3A_413, %iota3A : vector<16xi32>
      %swap3A_415 = arith.index_cast %add3A_395 : i32 to index
      %swap3A_416 = tpu.vector_load %arg5[%swap3A_415] {strides = array<i32>} : memref<2048xi32, #tpu.memory_space<vmem>>, vector<16xi32>,
      %swap3A_417 = vector.shape_cast %swap3A_416 : vector<16xi32> to vector<16xi32>
      %swap3A_418 = vector.shape_cast %add3A_414 : vector<16xi32> to vector<16xi32>
      tpu.vector_store %arg5[%swap3A_415], %swap3A_418 {strides = array<i32>} : memref<2048xi32, #tpu.memory_space<vmem>>, vector<16xi32>,
      %mul3A_419 = arith.constant 128 : i32
      %mul3A_420 = arith.muli %scan3A_168, %mul3A_419 : i32
      %mul3A_421 = arith.constant 128 : i32
      %mul3A_422 = arith.muli %scan3A_168, %mul3A_421 : i32
      %dma_start3A_423 = tpu.memref_slice %arg6[%mul3A_422] : memref<2048xf32, #tpu.memory_space<vmem>> -> memref<128xf32, #tpu.memory_space<vmem>>
      %dma_start3A_424 = tpu.memref_slice %arg5[%mul3A_420] : memref<2048xi32, #tpu.memory_space<vmem>> -> memref<128xi32, #tpu.memory_space<vmem>>
      %dma_start3A_425 = arith.constant 0 : i32
      %dma_start3A_426 = tpu.memref_slice %arg2[%dma_start3A_425] : memref<102400000xf32, #tpu.memory_space<hbm>> -> memref<102400000xf32, #tpu.memory_space<hbm>>
      tpu.enqueue_indirect_dma source(%dma_start3A_426 : memref<102400000xf32, #tpu.memory_space<hbm>>) target(%dma_start3A_423 : memref<128xf32, #tpu.memory_space<vmem>>) offsets(%dma_start3A_424 : memref<128xi32, #tpu.memory_space<vmem>>) semaphore(%arg10 : memref<!tpu.dma_semaphore, #tpu.memory_space<semaphore_mem>>)
    }
    %scan3A_55 = arith.constant 4 : i32
    %dma_wait3A_56 = arith.constant 1024 : i32
    %dma_wait3A_57 = tpu.memref_slice %arg5[%dma_wait3A_56] : memref<2048xi32, #tpu.memory_space<vmem>> -> memref<512xi32, #tpu.memory_space<vmem>>
    %dma_wait3A_58 = tpu.memref_slice %arg3[%add3A_19] : memref<65536xi32, #tpu.memory_space<hbm>> -> memref<512xi32, #tpu.memory_space<hbm>>
    %dma_wait3A_59 = arith.constant 1024 : i32
    %dma_wait3A_60 = tpu.memref_slice %arg5[%dma_wait3A_59] : memref<2048xi32, #tpu.memory_space<vmem>> -> memref<512xi32, #tpu.memory_space<vmem>>
    %dma_wait3A_61 = tpu.memref_slice %arg3[%add3A_19] : memref<65536xi32, #tpu.memory_space<hbm>> -> memref<512xi32, #tpu.memory_space<hbm>>
    tpu.wait_dma2 semaphore(%arg7 : memref<!tpu.dma_semaphore, #tpu.memory_space<semaphore_mem>>) src(%dma_wait3A_61 : memref<512xi32, #tpu.memory_space<hbm>>) dst(%dma_wait3A_60 : memref<512xi32, #tpu.memory_space<vmem>>)
    %scan3A_62 = arith.constant 0 : i32
    %scan3A_63 = arith.constant 8 : i32
    %scan3A_64 = arith.constant 4 : i32
    %scan3A_65 = arith.addi %scan3A_63, %scan3A_64 : i32
    %scan3A_66 = arith.constant 1 : i32
    scf.for %scan3A_168 = %scan3A_63 to %scan3A_65 step %scan3A_66  : i32 {
      %mul3A_169 = arith.constant 128 : i32
      %mul3A_170 = arith.muli %scan3A_168, %mul3A_169 : i32
      %add3A_171 = arith.addi %mul3A_2, %mul3A_170 : i32
      %shift_right_arithmetic3A = arith.constant 10 : i32
      %shift_right_arithmetic3A_172 = arith.shrsi %add3A_171, %shift_right_arithmetic3A : i32
      %and3A = arith.constant 7 : i32
      %and3A_173 = arith.andi %shift_right_arithmetic3A_172, %and3A : i32
      %shift_left3A = arith.constant 10 : i32
      %shift_left3A_174 = arith.shli %and3A_173, %shift_left3A : i32
      %add3A_175 = arith.constant 0 : i32
      %add3A_176 = arith.addi %shift_left3A_174, %add3A_175 : i32
      %mul3A_177 = arith.constant 128 : i32
      %mul3A_178 = arith.muli %scan3A_168, %mul3A_177 : i32
      %add3A_179 = arith.constant 0 : i32
      %add3A_180 = arith.addi %mul3A_178, %add3A_179 : i32
      %get3A = arith.index_cast %add3A_180 : i32 to index
      %get3A_181 = tpu.vector_load %arg5[%get3A] {strides = array<i32>} : memref<2048xi32, #tpu.memory_space<vmem>>, vector<16xi32>,
      %get3A_182 = vector.shape_cast %get3A_181 : vector<16xi32> to vector<16xi32>
      %shift_right_arithmetic3A_183 = arith.constant 3 : i32
      %shift_right_arithmetic3A_184 = vector.broadcast %shift_right_arithmetic3A_183 : i32 to vector<16xi32>
      %shift_right_arithmetic3A_185 = arith.shrsi %get3A_182, %shift_right_arithmetic3A_184 : vector<16xi32>
      %shift_left3A_186 = arith.constant 13 : i32
      %shift_left3A_187 = vector.broadcast %shift_left3A_186 : i32 to vector<16xi32>
      %shift_left3A_188 = arith.shli %shift_right_arithmetic3A_185, %shift_left3A_187 : vector<16xi32>
      %and3A_189 = arith.constant 7 : i32
      %and3A_190 = vector.broadcast %and3A_189 : i32 to vector<16xi32>
      %and3A_191 = arith.andi %get3A_182, %and3A_190 : vector<16xi32>
      %shift_left3A_192 = arith.constant 7 : i32
      %shift_left3A_193 = vector.broadcast %shift_left3A_192 : i32 to vector<16xi32>
      %shift_left3A_194 = arith.shli %and3A_191, %shift_left3A_193 : vector<16xi32>
      %add3A_195 = arith.addi %shift_left3A_188, %shift_left3A_194 : vector<16xi32>
      %add3A_196 = vector.broadcast %add3A_176 : i32 to vector<16xi32>
      %add3A_197 = arith.addi %add3A_195, %add3A_196 : vector<16xi32>
      %add3A_198 = arith.addi %add3A_197, %iota3A : vector<16xi32>
      %swap3A = arith.index_cast %add3A_180 : i32 to index
      %swap3A_199 = tpu.vector_load %arg5[%swap3A] {strides = array<i32>} : memref<2048xi32, #tpu.memory_space<vmem>>, vector<16xi32>,
      %swap3A_200 = vector.shape_cast %swap3A_199 : vector<16xi32> to vector<16xi32>
      %swap3A_201 = vector.shape_cast %add3A_198 : vector<16xi32> to vector<16xi32>
      tpu.vector_store %arg5[%swap3A], %swap3A_201 {strides = array<i32>} : memref<2048xi32, #tpu.memory_space<vmem>>, vector<16xi32>,
      %shift_left3A_202 = arith.constant 10 : i32
      %shift_left3A_203 = arith.shli %and3A_173, %shift_left3A_202 : i32
      %add3A_204 = arith.constant 16 : i32
      %add3A_205 = arith.addi %shift_left3A_203, %add3A_204 : i32
      %mul3A_206 = arith.constant 128 : i32
      %mul3A_207 = arith.muli %scan3A_168, %mul3A_206 : i32
      %add3A_208 = arith.constant 16 : i32
      %add3A_209 = arith.addi %mul3A_207, %add3A_208 : i32
      %get3A_210 = arith.index_cast %add3A_209 : i32 to index
      %get3A_211 = tpu.vector_load %arg5[%get3A_210] {strides = array<i32>} : memref<2048xi32, #tpu.memory_space<vmem>>, vector<16xi32>,
      %get3A_212 = vector.shape_cast %get3A_211 : vector<16xi32> to vector<16xi32>
      %shift_right_arithmetic3A_213 = arith.constant 3 : i32
      %shift_right_arithmetic3A_214 = vector.broadcast %shift_right_arithmetic3A_213 : i32 to vector<16xi32>
      %shift_right_arithmetic3A_215 = arith.shrsi %get3A_212, %shift_right_arithmetic3A_214 : vector<16xi32>
      %shift_left3A_216 = arith.constant 13 : i32
      %shift_left3A_217 = vector.broadcast %shift_left3A_216 : i32 to vector<16xi32>
      %shift_left3A_218 = arith.shli %shift_right_arithmetic3A_215, %shift_left3A_217 : vector<16xi32>
      %and3A_219 = arith.constant 7 : i32
      %and3A_220 = vector.broadcast %and3A_219 : i32 to vector<16xi32>
      %and3A_221 = arith.andi %get3A_212, %and3A_220 : vector<16xi32>
      %shift_left3A_222 = arith.constant 7 : i32
      %shift_left3A_223 = vector.broadcast %shift_left3A_222 : i32 to vector<16xi32>
      %shift_left3A_224 = arith.shli %and3A_221, %shift_left3A_223 : vector<16xi32>
      %add3A_225 = arith.addi %shift_left3A_218, %shift_left3A_224 : vector<16xi32>
      %add3A_226 = vector.broadcast %add3A_205 : i32 to vector<16xi32>
      %add3A_227 = arith.addi %add3A_225, %add3A_226 : vector<16xi32>
      %add3A_228 = arith.addi %add3A_227, %iota3A : vector<16xi32>
      %swap3A_229 = arith.index_cast %add3A_209 : i32 to index
      %swap3A_230 = tpu.vector_load %arg5[%swap3A_229] {strides = array<i32>} : memref<2048xi32, #tpu.memory_space<vmem>>, vector<16xi32>,
      %swap3A_231 = vector.shape_cast %swap3A_230 : vector<16xi32> to vector<16xi32>
      %swap3A_232 = vector.shape_cast %add3A_228 : vector<16xi32> to vector<16xi32>
      tpu.vector_store %arg5[%swap3A_229], %swap3A_232 {strides = array<i32>} : memref<2048xi32, #tpu.memory_space<vmem>>, vector<16xi32>,
      %shift_left3A_233 = arith.constant 10 : i32
      %shift_left3A_234 = arith.shli %and3A_173, %shift_left3A_233 : i32
      %add3A_235 = arith.constant 32 : i32
      %add3A_236 = arith.addi %shift_left3A_234, %add3A_235 : i32
      %mul3A_237 = arith.constant 128 : i32
      %mul3A_238 = arith.muli %scan3A_168, %mul3A_237 : i32
      %add3A_239 = arith.constant 32 : i32
      %add3A_240 = arith.addi %mul3A_238, %add3A_239 : i32
      %get3A_241 = arith.index_cast %add3A_240 : i32 to index
      %get3A_242 = tpu.vector_load %arg5[%get3A_241] {strides = array<i32>} : memref<2048xi32, #tpu.memory_space<vmem>>, vector<16xi32>,
      %get3A_243 = vector.shape_cast %get3A_242 : vector<16xi32> to vector<16xi32>
      %shift_right_arithmetic3A_244 = arith.constant 3 : i32
      %shift_right_arithmetic3A_245 = vector.broadcast %shift_right_arithmetic3A_244 : i32 to vector<16xi32>
      %shift_right_arithmetic3A_246 = arith.shrsi %get3A_243, %shift_right_arithmetic3A_245 : vector<16xi32>
      %shift_left3A_247 = arith.constant 13 : i32
      %shift_left3A_248 = vector.broadcast %shift_left3A_247 : i32 to vector<16xi32>
      %shift_left3A_249 = arith.shli %shift_right_arithmetic3A_246, %shift_left3A_248 : vector<16xi32>
      %and3A_250 = arith.constant 7 : i32
      %and3A_251 = vector.broadcast %and3A_250 : i32 to vector<16xi32>
      %and3A_252 = arith.andi %get3A_243, %and3A_251 : vector<16xi32>
      %shift_left3A_253 = arith.constant 7 : i32
      %shift_left3A_254 = vector.broadcast %shift_left3A_253 : i32 to vector<16xi32>
      %shift_left3A_255 = arith.shli %and3A_252, %shift_left3A_254 : vector<16xi32>
      %add3A_256 = arith.addi %shift_left3A_249, %shift_left3A_255 : vector<16xi32>
      %add3A_257 = vector.broadcast %add3A_236 : i32 to vector<16xi32>
      %add3A_258 = arith.addi %add3A_256, %add3A_257 : vector<16xi32>
      %add3A_259 = arith.addi %add3A_258, %iota3A : vector<16xi32>
      %swap3A_260 = arith.index_cast %add3A_240 : i32 to index
      %swap3A_261 = tpu.vector_load %arg5[%swap3A_260] {strides = array<i32>} : memref<2048xi32, #tpu.memory_space<vmem>>, vector<16xi32>,
      %swap3A_262 = vector.shape_cast %swap3A_261 : vector<16xi32> to vector<16xi32>
      %swap3A_263 = vector.shape_cast %add3A_259 : vector<16xi32> to vector<16xi32>
      tpu.vector_store %arg5[%swap3A_260], %swap3A_263 {strides = array<i32>} : memref<2048xi32, #tpu.memory_space<vmem>>, vector<16xi32>,
      %shift_left3A_264 = arith.constant 10 : i32
      %shift_left3A_265 = arith.shli %and3A_173, %shift_left3A_264 : i32
      %add3A_266 = arith.constant 48 : i32
      %add3A_267 = arith.addi %shift_left3A_265, %add3A_266 : i32
      %mul3A_268 = arith.constant 128 : i32
      %mul3A_269 = arith.muli %scan3A_168, %mul3A_268 : i32
      %add3A_270 = arith.constant 48 : i32
      %add3A_271 = arith.addi %mul3A_269, %add3A_270 : i32
      %get3A_272 = arith.index_cast %add3A_271 : i32 to index
      %get3A_273 = tpu.vector_load %arg5[%get3A_272] {strides = array<i32>} : memref<2048xi32, #tpu.memory_space<vmem>>, vector<16xi32>,
      %get3A_274 = vector.shape_cast %get3A_273 : vector<16xi32> to vector<16xi32>
      %shift_right_arithmetic3A_275 = arith.constant 3 : i32
      %shift_right_arithmetic3A_276 = vector.broadcast %shift_right_arithmetic3A_275 : i32 to vector<16xi32>
      %shift_right_arithmetic3A_277 = arith.shrsi %get3A_274, %shift_right_arithmetic3A_276 : vector<16xi32>
      %shift_left3A_278 = arith.constant 13 : i32
      %shift_left3A_279 = vector.broadcast %shift_left3A_278 : i32 to vector<16xi32>
      %shift_left3A_280 = arith.shli %shift_right_arithmetic3A_277, %shift_left3A_279 : vector<16xi32>
      %and3A_281 = arith.constant 7 : i32
      %and3A_282 = vector.broadcast %and3A_281 : i32 to vector<16xi32>
      %and3A_283 = arith.andi %get3A_274, %and3A_282 : vector<16xi32>
      %shift_left3A_284 = arith.constant 7 : i32
      %shift_left3A_285 = vector.broadcast %shift_left3A_284 : i32 to vector<16xi32>
      %shift_left3A_286 = arith.shli %and3A_283, %shift_left3A_285 : vector<16xi32>
      %add3A_287 = arith.addi %shift_left3A_280, %shift_left3A_286 : vector<16xi32>
      %add3A_288 = vector.broadcast %add3A_267 : i32 to vector<16xi32>
      %add3A_289 = arith.addi %add3A_287, %add3A_288 : vector<16xi32>
      %add3A_290 = arith.addi %add3A_289, %iota3A : vector<16xi32>
      %swap3A_291 = arith.index_cast %add3A_271 : i32 to index
      %swap3A_292 = tpu.vector_load %arg5[%swap3A_291] {strides = array<i32>} : memref<2048xi32, #tpu.memory_space<vmem>>, vector<16xi32>,
      %swap3A_293 = vector.shape_cast %swap3A_292 : vector<16xi32> to vector<16xi32>
      %swap3A_294 = vector.shape_cast %add3A_290 : vector<16xi32> to vector<16xi32>
      tpu.vector_store %arg5[%swap3A_291], %swap3A_294 {strides = array<i32>} : memref<2048xi32, #tpu.memory_space<vmem>>, vector<16xi32>,
      %shift_left3A_295 = arith.constant 10 : i32
      %shift_left3A_296 = arith.shli %and3A_173, %shift_left3A_295 : i32
      %add3A_297 = arith.constant 64 : i32
      %add3A_298 = arith.addi %shift_left3A_296, %add3A_297 : i32
      %mul3A_299 = arith.constant 128 : i32
      %mul3A_300 = arith.muli %scan3A_168, %mul3A_299 : i32
      %add3A_301 = arith.constant 64 : i32
      %add3A_302 = arith.addi %mul3A_300, %add3A_301 : i32
      %get3A_303 = arith.index_cast %add3A_302 : i32 to index
      %get3A_304 = tpu.vector_load %arg5[%get3A_303] {strides = array<i32>} : memref<2048xi32, #tpu.memory_space<vmem>>, vector<16xi32>,
      %get3A_305 = vector.shape_cast %get3A_304 : vector<16xi32> to vector<16xi32>
      %shift_right_arithmetic3A_306 = arith.constant 3 : i32
      %shift_right_arithmetic3A_307 = vector.broadcast %shift_right_arithmetic3A_306 : i32 to vector<16xi32>
      %shift_right_arithmetic3A_308 = arith.shrsi %get3A_305, %shift_right_arithmetic3A_307 : vector<16xi32>
      %shift_left3A_309 = arith.constant 13 : i32
      %shift_left3A_310 = vector.broadcast %shift_left3A_309 : i32 to vector<16xi32>
      %shift_left3A_311 = arith.shli %shift_right_arithmetic3A_308, %shift_left3A_310 : vector<16xi32>
      %and3A_312 = arith.constant 7 : i32
      %and3A_313 = vector.broadcast %and3A_312 : i32 to vector<16xi32>
      %and3A_314 = arith.andi %get3A_305, %and3A_313 : vector<16xi32>
      %shift_left3A_315 = arith.constant 7 : i32
      %shift_left3A_316 = vector.broadcast %shift_left3A_315 : i32 to vector<16xi32>
      %shift_left3A_317 = arith.shli %and3A_314, %shift_left3A_316 : vector<16xi32>
      %add3A_318 = arith.addi %shift_left3A_311, %shift_left3A_317 : vector<16xi32>
      %add3A_319 = vector.broadcast %add3A_298 : i32 to vector<16xi32>
      %add3A_320 = arith.addi %add3A_318, %add3A_319 : vector<16xi32>
      %add3A_321 = arith.addi %add3A_320, %iota3A : vector<16xi32>
      %swap3A_322 = arith.index_cast %add3A_302 : i32 to index
      %swap3A_323 = tpu.vector_load %arg5[%swap3A_322] {strides = array<i32>} : memref<2048xi32, #tpu.memory_space<vmem>>, vector<16xi32>,
      %swap3A_324 = vector.shape_cast %swap3A_323 : vector<16xi32> to vector<16xi32>
      %swap3A_325 = vector.shape_cast %add3A_321 : vector<16xi32> to vector<16xi32>
      tpu.vector_store %arg5[%swap3A_322], %swap3A_325 {strides = array<i32>} : memref<2048xi32, #tpu.memory_space<vmem>>, vector<16xi32>,
      %shift_left3A_326 = arith.constant 10 : i32
      %shift_left3A_327 = arith.shli %and3A_173, %shift_left3A_326 : i32
      %add3A_328 = arith.constant 80 : i32
      %add3A_329 = arith.addi %shift_left3A_327, %add3A_328 : i32
      %mul3A_330 = arith.constant 128 : i32
      %mul3A_331 = arith.muli %scan3A_168, %mul3A_330 : i32
      %add3A_332 = arith.constant 80 : i32
      %add3A_333 = arith.addi %mul3A_331, %add3A_332 : i32
      %get3A_334 = arith.index_cast %add3A_333 : i32 to index
      %get3A_335 = tpu.vector_load %arg5[%get3A_334] {strides = array<i32>} : memref<2048xi32, #tpu.memory_space<vmem>>, vector<16xi32>,
      %get3A_336 = vector.shape_cast %get3A_335 : vector<16xi32> to vector<16xi32>
      %shift_right_arithmetic3A_337 = arith.constant 3 : i32
      %shift_right_arithmetic3A_338 = vector.broadcast %shift_right_arithmetic3A_337 : i32 to vector<16xi32>
      %shift_right_arithmetic3A_339 = arith.shrsi %get3A_336, %shift_right_arithmetic3A_338 : vector<16xi32>
      %shift_left3A_340 = arith.constant 13 : i32
      %shift_left3A_341 = vector.broadcast %shift_left3A_340 : i32 to vector<16xi32>
      %shift_left3A_342 = arith.shli %shift_right_arithmetic3A_339, %shift_left3A_341 : vector<16xi32>
      %and3A_343 = arith.constant 7 : i32
      %and3A_344 = vector.broadcast %and3A_343 : i32 to vector<16xi32>
      %and3A_345 = arith.andi %get3A_336, %and3A_344 : vector<16xi32>
      %shift_left3A_346 = arith.constant 7 : i32
      %shift_left3A_347 = vector.broadcast %shift_left3A_346 : i32 to vector<16xi32>
      %shift_left3A_348 = arith.shli %and3A_345, %shift_left3A_347 : vector<16xi32>
      %add3A_349 = arith.addi %shift_left3A_342, %shift_left3A_348 : vector<16xi32>
      %add3A_350 = vector.broadcast %add3A_329 : i32 to vector<16xi32>
      %add3A_351 = arith.addi %add3A_349, %add3A_350 : vector<16xi32>
      %add3A_352 = arith.addi %add3A_351, %iota3A : vector<16xi32>
      %swap3A_353 = arith.index_cast %add3A_333 : i32 to index
      %swap3A_354 = tpu.vector_load %arg5[%swap3A_353] {strides = array<i32>} : memref<2048xi32, #tpu.memory_space<vmem>>, vector<16xi32>,
      %swap3A_355 = vector.shape_cast %swap3A_354 : vector<16xi32> to vector<16xi32>
      %swap3A_356 = vector.shape_cast %add3A_352 : vector<16xi32> to vector<16xi32>
      tpu.vector_store %arg5[%swap3A_353], %swap3A_356 {strides = array<i32>} : memref<2048xi32, #tpu.memory_space<vmem>>, vector<16xi32>,
      %shift_left3A_357 = arith.constant 10 : i32
      %shift_left3A_358 = arith.shli %and3A_173, %shift_left3A_357 : i32
      %add3A_359 = arith.constant 96 : i32
      %add3A_360 = arith.addi %shift_left3A_358, %add3A_359 : i32
      %mul3A_361 = arith.constant 128 : i32
      %mul3A_362 = arith.muli %scan3A_168, %mul3A_361 : i32
      %add3A_363 = arith.constant 96 : i32
      %add3A_364 = arith.addi %mul3A_362, %add3A_363 : i32
      %get3A_365 = arith.index_cast %add3A_364 : i32 to index
      %get3A_366 = tpu.vector_load %arg5[%get3A_365] {strides = array<i32>} : memref<2048xi32, #tpu.memory_space<vmem>>, vector<16xi32>,
      %get3A_367 = vector.shape_cast %get3A_366 : vector<16xi32> to vector<16xi32>
      %shift_right_arithmetic3A_368 = arith.constant 3 : i32
      %shift_right_arithmetic3A_369 = vector.broadcast %shift_right_arithmetic3A_368 : i32 to vector<16xi32>
      %shift_right_arithmetic3A_370 = arith.shrsi %get3A_367, %shift_right_arithmetic3A_369 : vector<16xi32>
      %shift_left3A_371 = arith.constant 13 : i32
      %shift_left3A_372 = vector.broadcast %shift_left3A_371 : i32 to vector<16xi32>
      %shift_left3A_373 = arith.shli %shift_right_arithmetic3A_370, %shift_left3A_372 : vector<16xi32>
      %and3A_374 = arith.constant 7 : i32
      %and3A_375 = vector.broadcast %and3A_374 : i32 to vector<16xi32>
      %and3A_376 = arith.andi %get3A_367, %and3A_375 : vector<16xi32>
      %shift_left3A_377 = arith.constant 7 : i32
      %shift_left3A_378 = vector.broadcast %shift_left3A_377 : i32 to vector<16xi32>
      %shift_left3A_379 = arith.shli %and3A_376, %shift_left3A_378 : vector<16xi32>
      %add3A_380 = arith.addi %shift_left3A_373, %shift_left3A_379 : vector<16xi32>
      %add3A_381 = vector.broadcast %add3A_360 : i32 to vector<16xi32>
      %add3A_382 = arith.addi %add3A_380, %add3A_381 : vector<16xi32>
      %add3A_383 = arith.addi %add3A_382, %iota3A : vector<16xi32>
      %swap3A_384 = arith.index_cast %add3A_364 : i32 to index
      %swap3A_385 = tpu.vector_load %arg5[%swap3A_384] {strides = array<i32>} : memref<2048xi32, #tpu.memory_space<vmem>>, vector<16xi32>,
      %swap3A_386 = vector.shape_cast %swap3A_385 : vector<16xi32> to vector<16xi32>
      %swap3A_387 = vector.shape_cast %add3A_383 : vector<16xi32> to vector<16xi32>
      tpu.vector_store %arg5[%swap3A_384], %swap3A_387 {strides = array<i32>} : memref<2048xi32, #tpu.memory_space<vmem>>, vector<16xi32>,
      %shift_left3A_388 = arith.constant 10 : i32
      %shift_left3A_389 = arith.shli %and3A_173, %shift_left3A_388 : i32
      %add3A_390 = arith.constant 112 : i32
      %add3A_391 = arith.addi %shift_left3A_389, %add3A_390 : i32
      %mul3A_392 = arith.constant 128 : i32
      %mul3A_393 = arith.muli %scan3A_168, %mul3A_392 : i32
      %add3A_394 = arith.constant 112 : i32
      %add3A_395 = arith.addi %mul3A_393, %add3A_394 : i32
      %get3A_396 = arith.index_cast %add3A_395 : i32 to index
      %get3A_397 = tpu.vector_load %arg5[%get3A_396] {strides = array<i32>} : memref<2048xi32, #tpu.memory_space<vmem>>, vector<16xi32>,
      %get3A_398 = vector.shape_cast %get3A_397 : vector<16xi32> to vector<16xi32>
      %shift_right_arithmetic3A_399 = arith.constant 3 : i32
      %shift_right_arithmetic3A_400 = vector.broadcast %shift_right_arithmetic3A_399 : i32 to vector<16xi32>
      %shift_right_arithmetic3A_401 = arith.shrsi %get3A_398, %shift_right_arithmetic3A_400 : vector<16xi32>
      %shift_left3A_402 = arith.constant 13 : i32
      %shift_left3A_403 = vector.broadcast %shift_left3A_402 : i32 to vector<16xi32>
      %shift_left3A_404 = arith.shli %shift_right_arithmetic3A_401, %shift_left3A_403 : vector<16xi32>
      %and3A_405 = arith.constant 7 : i32
      %and3A_406 = vector.broadcast %and3A_405 : i32 to vector<16xi32>
      %and3A_407 = arith.andi %get3A_398, %and3A_406 : vector<16xi32>
      %shift_left3A_408 = arith.constant 7 : i32
      %shift_left3A_409 = vector.broadcast %shift_left3A_408 : i32 to vector<16xi32>
      %shift_left3A_410 = arith.shli %and3A_407, %shift_left3A_409 : vector<16xi32>
      %add3A_411 = arith.addi %shift_left3A_404, %shift_left3A_410 : vector<16xi32>
      %add3A_412 = vector.broadcast %add3A_391 : i32 to vector<16xi32>
      %add3A_413 = arith.addi %add3A_411, %add3A_412 : vector<16xi32>
      %add3A_414 = arith.addi %add3A_413, %iota3A : vector<16xi32>
      %swap3A_415 = arith.index_cast %add3A_395 : i32 to index
      %swap3A_416 = tpu.vector_load %arg5[%swap3A_415] {strides = array<i32>} : memref<2048xi32, #tpu.memory_space<vmem>>, vector<16xi32>,
      %swap3A_417 = vector.shape_cast %swap3A_416 : vector<16xi32> to vector<16xi32>
      %swap3A_418 = vector.shape_cast %add3A_414 : vector<16xi32> to vector<16xi32>
      tpu.vector_store %arg5[%swap3A_415], %swap3A_418 {strides = array<i32>} : memref<2048xi32, #tpu.memory_space<vmem>>, vector<16xi32>,
      %mul3A_419 = arith.constant 128 : i32
      %mul3A_420 = arith.muli %scan3A_168, %mul3A_419 : i32
      %mul3A_421 = arith.constant 128 : i32
      %mul3A_422 = arith.muli %scan3A_168, %mul3A_421 : i32
      %dma_start3A_423 = tpu.memref_slice %arg6[%mul3A_422] : memref<2048xf32, #tpu.memory_space<vmem>> -> memref<128xf32, #tpu.memory_space<vmem>>
      %dma_start3A_424 = tpu.memref_slice %arg5[%mul3A_420] : memref<2048xi32, #tpu.memory_space<vmem>> -> memref<128xi32, #tpu.memory_space<vmem>>
      %dma_start3A_425 = arith.constant 0 : i32
      %dma_start3A_426 = tpu.memref_slice %arg2[%dma_start3A_425] : memref<102400000xf32, #tpu.memory_space<hbm>> -> memref<102400000xf32, #tpu.memory_space<hbm>>
      tpu.enqueue_indirect_dma source(%dma_start3A_426 : memref<102400000xf32, #tpu.memory_space<hbm>>) target(%dma_start3A_423 : memref<128xf32, #tpu.memory_space<vmem>>) offsets(%dma_start3A_424 : memref<128xi32, #tpu.memory_space<vmem>>) semaphore(%arg11 : memref<!tpu.dma_semaphore, #tpu.memory_space<semaphore_mem>>)
    }
    %scan3A_67 = arith.constant 4 : i32
    %dma_wait3A_68 = arith.constant 1536 : i32
    %dma_wait3A_69 = tpu.memref_slice %arg5[%dma_wait3A_68] : memref<2048xi32, #tpu.memory_space<vmem>> -> memref<512xi32, #tpu.memory_space<vmem>>
    %dma_wait3A_70 = tpu.memref_slice %arg3[%add3A_27] : memref<65536xi32, #tpu.memory_space<hbm>> -> memref<512xi32, #tpu.memory_space<hbm>>
    %dma_wait3A_71 = arith.constant 1536 : i32
    %dma_wait3A_72 = tpu.memref_slice %arg5[%dma_wait3A_71] : memref<2048xi32, #tpu.memory_space<vmem>> -> memref<512xi32, #tpu.memory_space<vmem>>
    %dma_wait3A_73 = tpu.memref_slice %arg3[%add3A_27] : memref<65536xi32, #tpu.memory_space<hbm>> -> memref<512xi32, #tpu.memory_space<hbm>>
    tpu.wait_dma2 semaphore(%arg7 : memref<!tpu.dma_semaphore, #tpu.memory_space<semaphore_mem>>) src(%dma_wait3A_73 : memref<512xi32, #tpu.memory_space<hbm>>) dst(%dma_wait3A_72 : memref<512xi32, #tpu.memory_space<vmem>>)
    %scan3A_74 = arith.constant 0 : i32
    %scan3A_75 = arith.constant 12 : i32
    %scan3A_76 = arith.constant 4 : i32
    %scan3A_77 = arith.addi %scan3A_75, %scan3A_76 : i32
    %scan3A_78 = arith.constant 1 : i32
    scf.for %scan3A_168 = %scan3A_75 to %scan3A_77 step %scan3A_78  : i32 {
      %mul3A_169 = arith.constant 128 : i32
      %mul3A_170 = arith.muli %scan3A_168, %mul3A_169 : i32
      %add3A_171 = arith.addi %mul3A_2, %mul3A_170 : i32
      %shift_right_arithmetic3A = arith.constant 10 : i32
      %shift_right_arithmetic3A_172 = arith.shrsi %add3A_171, %shift_right_arithmetic3A : i32
      %and3A = arith.constant 7 : i32
      %and3A_173 = arith.andi %shift_right_arithmetic3A_172, %and3A : i32
      %shift_left3A = arith.constant 10 : i32
      %shift_left3A_174 = arith.shli %and3A_173, %shift_left3A : i32
      %add3A_175 = arith.constant 0 : i32
      %add3A_176 = arith.addi %shift_left3A_174, %add3A_175 : i32
      %mul3A_177 = arith.constant 128 : i32
      %mul3A_178 = arith.muli %scan3A_168, %mul3A_177 : i32
      %add3A_179 = arith.constant 0 : i32
      %add3A_180 = arith.addi %mul3A_178, %add3A_179 : i32
      %get3A = arith.index_cast %add3A_180 : i32 to index
      %get3A_181 = tpu.vector_load %arg5[%get3A] {strides = array<i32>} : memref<2048xi32, #tpu.memory_space<vmem>>, vector<16xi32>,
      %get3A_182 = vector.shape_cast %get3A_181 : vector<16xi32> to vector<16xi32>
      %shift_right_arithmetic3A_183 = arith.constant 3 : i32
      %shift_right_arithmetic3A_184 = vector.broadcast %shift_right_arithmetic3A_183 : i32 to vector<16xi32>
      %shift_right_arithmetic3A_185 = arith.shrsi %get3A_182, %shift_right_arithmetic3A_184 : vector<16xi32>
      %shift_left3A_186 = arith.constant 13 : i32
      %shift_left3A_187 = vector.broadcast %shift_left3A_186 : i32 to vector<16xi32>
      %shift_left3A_188 = arith.shli %shift_right_arithmetic3A_185, %shift_left3A_187 : vector<16xi32>
      %and3A_189 = arith.constant 7 : i32
      %and3A_190 = vector.broadcast %and3A_189 : i32 to vector<16xi32>
      %and3A_191 = arith.andi %get3A_182, %and3A_190 : vector<16xi32>
      %shift_left3A_192 = arith.constant 7 : i32
      %shift_left3A_193 = vector.broadcast %shift_left3A_192 : i32 to vector<16xi32>
      %shift_left3A_194 = arith.shli %and3A_191, %shift_left3A_193 : vector<16xi32>
      %add3A_195 = arith.addi %shift_left3A_188, %shift_left3A_194 : vector<16xi32>
      %add3A_196 = vector.broadcast %add3A_176 : i32 to vector<16xi32>
      %add3A_197 = arith.addi %add3A_195, %add3A_196 : vector<16xi32>
      %add3A_198 = arith.addi %add3A_197, %iota3A : vector<16xi32>
      %swap3A = arith.index_cast %add3A_180 : i32 to index
      %swap3A_199 = tpu.vector_load %arg5[%swap3A] {strides = array<i32>} : memref<2048xi32, #tpu.memory_space<vmem>>, vector<16xi32>,
      %swap3A_200 = vector.shape_cast %swap3A_199 : vector<16xi32> to vector<16xi32>
      %swap3A_201 = vector.shape_cast %add3A_198 : vector<16xi32> to vector<16xi32>
      tpu.vector_store %arg5[%swap3A], %swap3A_201 {strides = array<i32>} : memref<2048xi32, #tpu.memory_space<vmem>>, vector<16xi32>,
      %shift_left3A_202 = arith.constant 10 : i32
      %shift_left3A_203 = arith.shli %and3A_173, %shift_left3A_202 : i32
      %add3A_204 = arith.constant 16 : i32
      %add3A_205 = arith.addi %shift_left3A_203, %add3A_204 : i32
      %mul3A_206 = arith.constant 128 : i32
      %mul3A_207 = arith.muli %scan3A_168, %mul3A_206 : i32
      %add3A_208 = arith.constant 16 : i32
      %add3A_209 = arith.addi %mul3A_207, %add3A_208 : i32
      %get3A_210 = arith.index_cast %add3A_209 : i32 to index
      %get3A_211 = tpu.vector_load %arg5[%get3A_210] {strides = array<i32>} : memref<2048xi32, #tpu.memory_space<vmem>>, vector<16xi32>,
      %get3A_212 = vector.shape_cast %get3A_211 : vector<16xi32> to vector<16xi32>
      %shift_right_arithmetic3A_213 = arith.constant 3 : i32
      %shift_right_arithmetic3A_214 = vector.broadcast %shift_right_arithmetic3A_213 : i32 to vector<16xi32>
      %shift_right_arithmetic3A_215 = arith.shrsi %get3A_212, %shift_right_arithmetic3A_214 : vector<16xi32>
      %shift_left3A_216 = arith.constant 13 : i32
      %shift_left3A_217 = vector.broadcast %shift_left3A_216 : i32 to vector<16xi32>
      %shift_left3A_218 = arith.shli %shift_right_arithmetic3A_215, %shift_left3A_217 : vector<16xi32>
      %and3A_219 = arith.constant 7 : i32
      %and3A_220 = vector.broadcast %and3A_219 : i32 to vector<16xi32>
      %and3A_221 = arith.andi %get3A_212, %and3A_220 : vector<16xi32>
      %shift_left3A_222 = arith.constant 7 : i32
      %shift_left3A_223 = vector.broadcast %shift_left3A_222 : i32 to vector<16xi32>
      %shift_left3A_224 = arith.shli %and3A_221, %shift_left3A_223 : vector<16xi32>
      %add3A_225 = arith.addi %shift_left3A_218, %shift_left3A_224 : vector<16xi32>
      %add3A_226 = vector.broadcast %add3A_205 : i32 to vector<16xi32>
      %add3A_227 = arith.addi %add3A_225, %add3A_226 : vector<16xi32>
      %add3A_228 = arith.addi %add3A_227, %iota3A : vector<16xi32>
      %swap3A_229 = arith.index_cast %add3A_209 : i32 to index
      %swap3A_230 = tpu.vector_load %arg5[%swap3A_229] {strides = array<i32>} : memref<2048xi32, #tpu.memory_space<vmem>>, vector<16xi32>,
      %swap3A_231 = vector.shape_cast %swap3A_230 : vector<16xi32> to vector<16xi32>
      %swap3A_232 = vector.shape_cast %add3A_228 : vector<16xi32> to vector<16xi32>
      tpu.vector_store %arg5[%swap3A_229], %swap3A_232 {strides = array<i32>} : memref<2048xi32, #tpu.memory_space<vmem>>, vector<16xi32>,
      %shift_left3A_233 = arith.constant 10 : i32
      %shift_left3A_234 = arith.shli %and3A_173, %shift_left3A_233 : i32
      %add3A_235 = arith.constant 32 : i32
      %add3A_236 = arith.addi %shift_left3A_234, %add3A_235 : i32
      %mul3A_237 = arith.constant 128 : i32
      %mul3A_238 = arith.muli %scan3A_168, %mul3A_237 : i32
      %add3A_239 = arith.constant 32 : i32
      %add3A_240 = arith.addi %mul3A_238, %add3A_239 : i32
      %get3A_241 = arith.index_cast %add3A_240 : i32 to index
      %get3A_242 = tpu.vector_load %arg5[%get3A_241] {strides = array<i32>} : memref<2048xi32, #tpu.memory_space<vmem>>, vector<16xi32>,
      %get3A_243 = vector.shape_cast %get3A_242 : vector<16xi32> to vector<16xi32>
      %shift_right_arithmetic3A_244 = arith.constant 3 : i32
      %shift_right_arithmetic3A_245 = vector.broadcast %shift_right_arithmetic3A_244 : i32 to vector<16xi32>
      %shift_right_arithmetic3A_246 = arith.shrsi %get3A_243, %shift_right_arithmetic3A_245 : vector<16xi32>
      %shift_left3A_247 = arith.constant 13 : i32
      %shift_left3A_248 = vector.broadcast %shift_left3A_247 : i32 to vector<16xi32>
      %shift_left3A_249 = arith.shli %shift_right_arithmetic3A_246, %shift_left3A_248 : vector<16xi32>
      %and3A_250 = arith.constant 7 : i32
      %and3A_251 = vector.broadcast %and3A_250 : i32 to vector<16xi32>
      %and3A_252 = arith.andi %get3A_243, %and3A_251 : vector<16xi32>
      %shift_left3A_253 = arith.constant 7 : i32
      %shift_left3A_254 = vector.broadcast %shift_left3A_253 : i32 to vector<16xi32>
      %shift_left3A_255 = arith.shli %and3A_252, %shift_left3A_254 : vector<16xi32>
      %add3A_256 = arith.addi %shift_left3A_249, %shift_left3A_255 : vector<16xi32>
      %add3A_257 = vector.broadcast %add3A_236 : i32 to vector<16xi32>
      %add3A_258 = arith.addi %add3A_256, %add3A_257 : vector<16xi32>
      %add3A_259 = arith.addi %add3A_258, %iota3A : vector<16xi32>
      %swap3A_260 = arith.index_cast %add3A_240 : i32 to index
      %swap3A_261 = tpu.vector_load %arg5[%swap3A_260] {strides = array<i32>} : memref<2048xi32, #tpu.memory_space<vmem>>, vector<16xi32>,
      %swap3A_262 = vector.shape_cast %swap3A_261 : vector<16xi32> to vector<16xi32>
      %swap3A_263 = vector.shape_cast %add3A_259 : vector<16xi32> to vector<16xi32>
      tpu.vector_store %arg5[%swap3A_260], %swap3A_263 {strides = array<i32>} : memref<2048xi32, #tpu.memory_space<vmem>>, vector<16xi32>,
      %shift_left3A_264 = arith.constant 10 : i32
      %shift_left3A_265 = arith.shli %and3A_173, %shift_left3A_264 : i32
      %add3A_266 = arith.constant 48 : i32
      %add3A_267 = arith.addi %shift_left3A_265, %add3A_266 : i32
      %mul3A_268 = arith.constant 128 : i32
      %mul3A_269 = arith.muli %scan3A_168, %mul3A_268 : i32
      %add3A_270 = arith.constant 48 : i32
      %add3A_271 = arith.addi %mul3A_269, %add3A_270 : i32
      %get3A_272 = arith.index_cast %add3A_271 : i32 to index
      %get3A_273 = tpu.vector_load %arg5[%get3A_272] {strides = array<i32>} : memref<2048xi32, #tpu.memory_space<vmem>>, vector<16xi32>,
      %get3A_274 = vector.shape_cast %get3A_273 : vector<16xi32> to vector<16xi32>
      %shift_right_arithmetic3A_275 = arith.constant 3 : i32
      %shift_right_arithmetic3A_276 = vector.broadcast %shift_right_arithmetic3A_275 : i32 to vector<16xi32>
      %shift_right_arithmetic3A_277 = arith.shrsi %get3A_274, %shift_right_arithmetic3A_276 : vector<16xi32>
      %shift_left3A_278 = arith.constant 13 : i32
      %shift_left3A_279 = vector.broadcast %shift_left3A_278 : i32 to vector<16xi32>
      %shift_left3A_280 = arith.shli %shift_right_arithmetic3A_277, %shift_left3A_279 : vector<16xi32>
      %and3A_281 = arith.constant 7 : i32
      %and3A_282 = vector.broadcast %and3A_281 : i32 to vector<16xi32>
      %and3A_283 = arith.andi %get3A_274, %and3A_282 : vector<16xi32>
      %shift_left3A_284 = arith.constant 7 : i32
      %shift_left3A_285 = vector.broadcast %shift_left3A_284 : i32 to vector<16xi32>
      %shift_left3A_286 = arith.shli %and3A_283, %shift_left3A_285 : vector<16xi32>
      %add3A_287 = arith.addi %shift_left3A_280, %shift_left3A_286 : vector<16xi32>
      %add3A_288 = vector.broadcast %add3A_267 : i32 to vector<16xi32>
      %add3A_289 = arith.addi %add3A_287, %add3A_288 : vector<16xi32>
      %add3A_290 = arith.addi %add3A_289, %iota3A : vector<16xi32>
      %swap3A_291 = arith.index_cast %add3A_271 : i32 to index
      %swap3A_292 = tpu.vector_load %arg5[%swap3A_291] {strides = array<i32>} : memref<2048xi32, #tpu.memory_space<vmem>>, vector<16xi32>,
      %swap3A_293 = vector.shape_cast %swap3A_292 : vector<16xi32> to vector<16xi32>
      %swap3A_294 = vector.shape_cast %add3A_290 : vector<16xi32> to vector<16xi32>
      tpu.vector_store %arg5[%swap3A_291], %swap3A_294 {strides = array<i32>} : memref<2048xi32, #tpu.memory_space<vmem>>, vector<16xi32>,
      %shift_left3A_295 = arith.constant 10 : i32
      %shift_left3A_296 = arith.shli %and3A_173, %shift_left3A_295 : i32
      %add3A_297 = arith.constant 64 : i32
      %add3A_298 = arith.addi %shift_left3A_296, %add3A_297 : i32
      %mul3A_299 = arith.constant 128 : i32
      %mul3A_300 = arith.muli %scan3A_168, %mul3A_299 : i32
      %add3A_301 = arith.constant 64 : i32
      %add3A_302 = arith.addi %mul3A_300, %add3A_301 : i32
      %get3A_303 = arith.index_cast %add3A_302 : i32 to index
      %get3A_304 = tpu.vector_load %arg5[%get3A_303] {strides = array<i32>} : memref<2048xi32, #tpu.memory_space<vmem>>, vector<16xi32>,
      %get3A_305 = vector.shape_cast %get3A_304 : vector<16xi32> to vector<16xi32>
      %shift_right_arithmetic3A_306 = arith.constant 3 : i32
      %shift_right_arithmetic3A_307 = vector.broadcast %shift_right_arithmetic3A_306 : i32 to vector<16xi32>
      %shift_right_arithmetic3A_308 = arith.shrsi %get3A_305, %shift_right_arithmetic3A_307 : vector<16xi32>
      %shift_left3A_309 = arith.constant 13 : i32
      %shift_left3A_310 = vector.broadcast %shift_left3A_309 : i32 to vector<16xi32>
      %shift_left3A_311 = arith.shli %shift_right_arithmetic3A_308, %shift_left3A_310 : vector<16xi32>
      %and3A_312 = arith.constant 7 : i32
      %and3A_313 = vector.broadcast %and3A_312 : i32 to vector<16xi32>
      %and3A_314 = arith.andi %get3A_305, %and3A_313 : vector<16xi32>
      %shift_left3A_315 = arith.constant 7 : i32
      %shift_left3A_316 = vector.broadcast %shift_left3A_315 : i32 to vector<16xi32>
      %shift_left3A_317 = arith.shli %and3A_314, %shift_left3A_316 : vector<16xi32>
      %add3A_318 = arith.addi %shift_left3A_311, %shift_left3A_317 : vector<16xi32>
      %add3A_319 = vector.broadcast %add3A_298 : i32 to vector<16xi32>
      %add3A_320 = arith.addi %add3A_318, %add3A_319 : vector<16xi32>
      %add3A_321 = arith.addi %add3A_320, %iota3A : vector<16xi32>
      %swap3A_322 = arith.index_cast %add3A_302 : i32 to index
      %swap3A_323 = tpu.vector_load %arg5[%swap3A_322] {strides = array<i32>} : memref<2048xi32, #tpu.memory_space<vmem>>, vector<16xi32>,
      %swap3A_324 = vector.shape_cast %swap3A_323 : vector<16xi32> to vector<16xi32>
      %swap3A_325 = vector.shape_cast %add3A_321 : vector<16xi32> to vector<16xi32>
      tpu.vector_store %arg5[%swap3A_322], %swap3A_325 {strides = array<i32>} : memref<2048xi32, #tpu.memory_space<vmem>>, vector<16xi32>,
      %shift_left3A_326 = arith.constant 10 : i32
      %shift_left3A_327 = arith.shli %and3A_173, %shift_left3A_326 : i32
      %add3A_328 = arith.constant 80 : i32
      %add3A_329 = arith.addi %shift_left3A_327, %add3A_328 : i32
      %mul3A_330 = arith.constant 128 : i32
      %mul3A_331 = arith.muli %scan3A_168, %mul3A_330 : i32
      %add3A_332 = arith.constant 80 : i32
      %add3A_333 = arith.addi %mul3A_331, %add3A_332 : i32
      %get3A_334 = arith.index_cast %add3A_333 : i32 to index
      %get3A_335 = tpu.vector_load %arg5[%get3A_334] {strides = array<i32>} : memref<2048xi32, #tpu.memory_space<vmem>>, vector<16xi32>,
      %get3A_336 = vector.shape_cast %get3A_335 : vector<16xi32> to vector<16xi32>
      %shift_right_arithmetic3A_337 = arith.constant 3 : i32
      %shift_right_arithmetic3A_338 = vector.broadcast %shift_right_arithmetic3A_337 : i32 to vector<16xi32>
      %shift_right_arithmetic3A_339 = arith.shrsi %get3A_336, %shift_right_arithmetic3A_338 : vector<16xi32>
      %shift_left3A_340 = arith.constant 13 : i32
      %shift_left3A_341 = vector.broadcast %shift_left3A_340 : i32 to vector<16xi32>
      %shift_left3A_342 = arith.shli %shift_right_arithmetic3A_339, %shift_left3A_341 : vector<16xi32>
      %and3A_343 = arith.constant 7 : i32
      %and3A_344 = vector.broadcast %and3A_343 : i32 to vector<16xi32>
      %and3A_345 = arith.andi %get3A_336, %and3A_344 : vector<16xi32>
      %shift_left3A_346 = arith.constant 7 : i32
      %shift_left3A_347 = vector.broadcast %shift_left3A_346 : i32 to vector<16xi32>
      %shift_left3A_348 = arith.shli %and3A_345, %shift_left3A_347 : vector<16xi32>
      %add3A_349 = arith.addi %shift_left3A_342, %shift_left3A_348 : vector<16xi32>
      %add3A_350 = vector.broadcast %add3A_329 : i32 to vector<16xi32>
      %add3A_351 = arith.addi %add3A_349, %add3A_350 : vector<16xi32>
      %add3A_352 = arith.addi %add3A_351, %iota3A : vector<16xi32>
      %swap3A_353 = arith.index_cast %add3A_333 : i32 to index
      %swap3A_354 = tpu.vector_load %arg5[%swap3A_353] {strides = array<i32>} : memref<2048xi32, #tpu.memory_space<vmem>>, vector<16xi32>,
      %swap3A_355 = vector.shape_cast %swap3A_354 : vector<16xi32> to vector<16xi32>
      %swap3A_356 = vector.shape_cast %add3A_352 : vector<16xi32> to vector<16xi32>
      tpu.vector_store %arg5[%swap3A_353], %swap3A_356 {strides = array<i32>} : memref<2048xi32, #tpu.memory_space<vmem>>, vector<16xi32>,
      %shift_left3A_357 = arith.constant 10 : i32
      %shift_left3A_358 = arith.shli %and3A_173, %shift_left3A_357 : i32
      %add3A_359 = arith.constant 96 : i32
      %add3A_360 = arith.addi %shift_left3A_358, %add3A_359 : i32
      %mul3A_361 = arith.constant 128 : i32
      %mul3A_362 = arith.muli %scan3A_168, %mul3A_361 : i32
      %add3A_363 = arith.constant 96 : i32
      %add3A_364 = arith.addi %mul3A_362, %add3A_363 : i32
      %get3A_365 = arith.index_cast %add3A_364 : i32 to index
      %get3A_366 = tpu.vector_load %arg5[%get3A_365] {strides = array<i32>} : memref<2048xi32, #tpu.memory_space<vmem>>, vector<16xi32>,
      %get3A_367 = vector.shape_cast %get3A_366 : vector<16xi32> to vector<16xi32>
      %shift_right_arithmetic3A_368 = arith.constant 3 : i32
      %shift_right_arithmetic3A_369 = vector.broadcast %shift_right_arithmetic3A_368 : i32 to vector<16xi32>
      %shift_right_arithmetic3A_370 = arith.shrsi %get3A_367, %shift_right_arithmetic3A_369 : vector<16xi32>
      %shift_left3A_371 = arith.constant 13 : i32
      %shift_left3A_372 = vector.broadcast %shift_left3A_371 : i32 to vector<16xi32>
      %shift_left3A_373 = arith.shli %shift_right_arithmetic3A_370, %shift_left3A_372 : vector<16xi32>
      %and3A_374 = arith.constant 7 : i32
      %and3A_375 = vector.broadcast %and3A_374 : i32 to vector<16xi32>
      %and3A_376 = arith.andi %get3A_367, %and3A_375 : vector<16xi32>
      %shift_left3A_377 = arith.constant 7 : i32
      %shift_left3A_378 = vector.broadcast %shift_left3A_377 : i32 to vector<16xi32>
      %shift_left3A_379 = arith.shli %and3A_376, %shift_left3A_378 : vector<16xi32>
      %add3A_380 = arith.addi %shift_left3A_373, %shift_left3A_379 : vector<16xi32>
      %add3A_381 = vector.broadcast %add3A_360 : i32 to vector<16xi32>
      %add3A_382 = arith.addi %add3A_380, %add3A_381 : vector<16xi32>
      %add3A_383 = arith.addi %add3A_382, %iota3A : vector<16xi32>
      %swap3A_384 = arith.index_cast %add3A_364 : i32 to index
      %swap3A_385 = tpu.vector_load %arg5[%swap3A_384] {strides = array<i32>} : memref<2048xi32, #tpu.memory_space<vmem>>, vector<16xi32>,
      %swap3A_386 = vector.shape_cast %swap3A_385 : vector<16xi32> to vector<16xi32>
      %swap3A_387 = vector.shape_cast %add3A_383 : vector<16xi32> to vector<16xi32>
      tpu.vector_store %arg5[%swap3A_384], %swap3A_387 {strides = array<i32>} : memref<2048xi32, #tpu.memory_space<vmem>>, vector<16xi32>,
      %shift_left3A_388 = arith.constant 10 : i32
      %shift_left3A_389 = arith.shli %and3A_173, %shift_left3A_388 : i32
      %add3A_390 = arith.constant 112 : i32
      %add3A_391 = arith.addi %shift_left3A_389, %add3A_390 : i32
      %mul3A_392 = arith.constant 128 : i32
      %mul3A_393 = arith.muli %scan3A_168, %mul3A_392 : i32
      %add3A_394 = arith.constant 112 : i32
      %add3A_395 = arith.addi %mul3A_393, %add3A_394 : i32
      %get3A_396 = arith.index_cast %add3A_395 : i32 to index
      %get3A_397 = tpu.vector_load %arg5[%get3A_396] {strides = array<i32>} : memref<2048xi32, #tpu.memory_space<vmem>>, vector<16xi32>,
      %get3A_398 = vector.shape_cast %get3A_397 : vector<16xi32> to vector<16xi32>
      %shift_right_arithmetic3A_399 = arith.constant 3 : i32
      %shift_right_arithmetic3A_400 = vector.broadcast %shift_right_arithmetic3A_399 : i32 to vector<16xi32>
      %shift_right_arithmetic3A_401 = arith.shrsi %get3A_398, %shift_right_arithmetic3A_400 : vector<16xi32>
      %shift_left3A_402 = arith.constant 13 : i32
      %shift_left3A_403 = vector.broadcast %shift_left3A_402 : i32 to vector<16xi32>
      %shift_left3A_404 = arith.shli %shift_right_arithmetic3A_401, %shift_left3A_403 : vector<16xi32>
      %and3A_405 = arith.constant 7 : i32
      %and3A_406 = vector.broadcast %and3A_405 : i32 to vector<16xi32>
      %and3A_407 = arith.andi %get3A_398, %and3A_406 : vector<16xi32>
      %shift_left3A_408 = arith.constant 7 : i32
      %shift_left3A_409 = vector.broadcast %shift_left3A_408 : i32 to vector<16xi32>
      %shift_left3A_410 = arith.shli %and3A_407, %shift_left3A_409 : vector<16xi32>
      %add3A_411 = arith.addi %shift_left3A_404, %shift_left3A_410 : vector<16xi32>
      %add3A_412 = vector.broadcast %add3A_391 : i32 to vector<16xi32>
      %add3A_413 = arith.addi %add3A_411, %add3A_412 : vector<16xi32>
      %add3A_414 = arith.addi %add3A_413, %iota3A : vector<16xi32>
      %swap3A_415 = arith.index_cast %add3A_395 : i32 to index
      %swap3A_416 = tpu.vector_load %arg5[%swap3A_415] {strides = array<i32>} : memref<2048xi32, #tpu.memory_space<vmem>>, vector<16xi32>,
      %swap3A_417 = vector.shape_cast %swap3A_416 : vector<16xi32> to vector<16xi32>
      %swap3A_418 = vector.shape_cast %add3A_414 : vector<16xi32> to vector<16xi32>
      tpu.vector_store %arg5[%swap3A_415], %swap3A_418 {strides = array<i32>} : memref<2048xi32, #tpu.memory_space<vmem>>, vector<16xi32>,
      %mul3A_419 = arith.constant 128 : i32
      %mul3A_420 = arith.muli %scan3A_168, %mul3A_419 : i32
      %mul3A_421 = arith.constant 128 : i32
      %mul3A_422 = arith.muli %scan3A_168, %mul3A_421 : i32
      %dma_start3A_423 = tpu.memref_slice %arg6[%mul3A_422] : memref<2048xf32, #tpu.memory_space<vmem>> -> memref<128xf32, #tpu.memory_space<vmem>>
      %dma_start3A_424 = tpu.memref_slice %arg5[%mul3A_420] : memref<2048xi32, #tpu.memory_space<vmem>> -> memref<128xi32, #tpu.memory_space<vmem>>
      %dma_start3A_425 = arith.constant 0 : i32
      %dma_start3A_426 = tpu.memref_slice %arg2[%dma_start3A_425] : memref<102400000xf32, #tpu.memory_space<hbm>> -> memref<102400000xf32, #tpu.memory_space<hbm>>
      tpu.enqueue_indirect_dma source(%dma_start3A_426 : memref<102400000xf32, #tpu.memory_space<hbm>>) target(%dma_start3A_423 : memref<128xf32, #tpu.memory_space<vmem>>) offsets(%dma_start3A_424 : memref<128xi32, #tpu.memory_space<vmem>>) semaphore(%arg12 : memref<!tpu.dma_semaphore, #tpu.memory_space<semaphore_mem>>)
    }
    %scan3A_79 = arith.constant 4 : i32
    %dma_wait3A_80 = arith.constant 0 : i32
    %dma_wait3A_81 = tpu.memref_slice %arg6[%dma_wait3A_80] : memref<2048xf32, #tpu.memory_space<vmem>> -> memref<512xf32, #tpu.memory_space<vmem>>
    %dma_wait3A_82 = arith.constant 0 : i32
    %dma_wait3A_83 = tpu.memref_slice %arg2[%dma_wait3A_82] : memref<102400000xf32, #tpu.memory_space<hbm>> -> memref<512xf32, #tpu.memory_space<hbm>>
    %dma_wait3A_84 = arith.constant 0 : i32
    %dma_wait3A_85 = tpu.memref_slice %arg6[%dma_wait3A_84] : memref<2048xf32, #tpu.memory_space<vmem>> -> memref<512xf32, #tpu.memory_space<vmem>>
    %dma_wait3A_86 = arith.constant 0 : i32
    %dma_wait3A_87 = tpu.memref_slice %arg2[%dma_wait3A_86] : memref<102400000xf32, #tpu.memory_space<hbm>> -> memref<512xf32, #tpu.memory_space<hbm>>
    tpu.wait_dma2 semaphore(%arg9 : memref<!tpu.dma_semaphore, #tpu.memory_space<semaphore_mem>>) src(%dma_wait3A_87 : memref<512xf32, #tpu.memory_space<hbm>>) dst(%dma_wait3A_85 : memref<512xf32, #tpu.memory_space<vmem>>)
    %add3A_88 = arith.constant 0 : i32
    %add3A_89 = arith.addi %mul3A_2, %add3A_88 : i32
    %dma_start3A_90 = arith.constant 0 : i32
    %dma_start3A_91 = tpu.memref_slice %arg6[%dma_start3A_90] : memref<2048xf32, #tpu.memory_space<vmem>> -> memref<512xf32, #tpu.memory_space<vmem>>
    %dma_start3A_92 = tpu.memref_slice %arg4[%add3A_89] : memref<65536xf32, #tpu.memory_space<hbm>> -> memref<512xf32, #tpu.memory_space<hbm>>
    %dma_start3A_93 = tpu.memref_slice %arg4[%add3A_89] : memref<65536xf32, #tpu.memory_space<hbm>> -> memref<512xf32, #tpu.memory_space<hbm>>
    %dma_start3A_94 = arith.constant 0 : i32
    %dma_start3A_95 = tpu.memref_slice %arg6[%dma_start3A_94] : memref<2048xf32, #tpu.memory_space<vmem>> -> memref<512xf32, #tpu.memory_space<vmem>>
    tpu.enqueue_dma source(%dma_start3A_95 : memref<512xf32, #tpu.memory_space<vmem>>) target(%dma_start3A_93 : memref<512xf32, #tpu.memory_space<hbm>>) target_semaphore(%arg8 : memref<!tpu.dma_semaphore, #tpu.memory_space<semaphore_mem>>)
    %dma_wait3A_96 = arith.constant 512 : i32
    %dma_wait3A_97 = tpu.memref_slice %arg6[%dma_wait3A_96] : memref<2048xf32, #tpu.memory_space<vmem>> -> memref<512xf32, #tpu.memory_space<vmem>>
    %dma_wait3A_98 = arith.constant 0 : i32
    %dma_wait3A_99 = tpu.memref_slice %arg2[%dma_wait3A_98] : memref<102400000xf32, #tpu.memory_space<hbm>> -> memref<512xf32, #tpu.memory_space<hbm>>
    %dma_wait3A_100 = arith.constant 512 : i32
    %dma_wait3A_101 = tpu.memref_slice %arg6[%dma_wait3A_100] : memref<2048xf32, #tpu.memory_space<vmem>> -> memref<512xf32, #tpu.memory_space<vmem>>
    %dma_wait3A_102 = arith.constant 0 : i32
    %dma_wait3A_103 = tpu.memref_slice %arg2[%dma_wait3A_102] : memref<102400000xf32, #tpu.memory_space<hbm>> -> memref<512xf32, #tpu.memory_space<hbm>>
    tpu.wait_dma2 semaphore(%arg10 : memref<!tpu.dma_semaphore, #tpu.memory_space<semaphore_mem>>) src(%dma_wait3A_103 : memref<512xf32, #tpu.memory_space<hbm>>) dst(%dma_wait3A_101 : memref<512xf32, #tpu.memory_space<vmem>>)
    %add3A_104 = arith.constant 512 : i32
    %add3A_105 = arith.addi %mul3A_2, %add3A_104 : i32
    %dma_start3A_106 = arith.constant 512 : i32
    %dma_start3A_107 = tpu.memref_slice %arg6[%dma_start3A_106] : memref<2048xf32, #tpu.memory_space<vmem>> -> memref<512xf32, #tpu.memory_space<vmem>>
    %dma_start3A_108 = tpu.memref_slice %arg4[%add3A_105] : memref<65536xf32, #tpu.memory_space<hbm>> -> memref<512xf32, #tpu.memory_space<hbm>>
    %dma_start3A_109 = tpu.memref_slice %arg4[%add3A_105] : memref<65536xf32, #tpu.memory_space<hbm>> -> memref<512xf32, #tpu.memory_space<hbm>>
    %dma_start3A_110 = arith.constant 512 : i32
    %dma_start3A_111 = tpu.memref_slice %arg6[%dma_start3A_110] : memref<2048xf32, #tpu.memory_space<vmem>> -> memref<512xf32, #tpu.memory_space<vmem>>
    tpu.enqueue_dma source(%dma_start3A_111 : memref<512xf32, #tpu.memory_space<vmem>>) target(%dma_start3A_109 : memref<512xf32, #tpu.memory_space<hbm>>) target_semaphore(%arg8 : memref<!tpu.dma_semaphore, #tpu.memory_space<semaphore_mem>>)
    %dma_wait3A_112 = arith.constant 1024 : i32
    %dma_wait3A_113 = tpu.memref_slice %arg6[%dma_wait3A_112] : memref<2048xf32, #tpu.memory_space<vmem>> -> memref<512xf32, #tpu.memory_space<vmem>>
    %dma_wait3A_114 = arith.constant 0 : i32
    %dma_wait3A_115 = tpu.memref_slice %arg2[%dma_wait3A_114] : memref<102400000xf32, #tpu.memory_space<hbm>> -> memref<512xf32, #tpu.memory_space<hbm>>
    %dma_wait3A_116 = arith.constant 1024 : i32
    %dma_wait3A_117 = tpu.memref_slice %arg6[%dma_wait3A_116] : memref<2048xf32, #tpu.memory_space<vmem>> -> memref<512xf32, #tpu.memory_space<vmem>>
    %dma_wait3A_118 = arith.constant 0 : i32
    %dma_wait3A_119 = tpu.memref_slice %arg2[%dma_wait3A_118] : memref<102400000xf32, #tpu.memory_space<hbm>> -> memref<512xf32, #tpu.memory_space<hbm>>
    tpu.wait_dma2 semaphore(%arg11 : memref<!tpu.dma_semaphore, #tpu.memory_space<semaphore_mem>>) src(%dma_wait3A_119 : memref<512xf32, #tpu.memory_space<hbm>>) dst(%dma_wait3A_117 : memref<512xf32, #tpu.memory_space<vmem>>)
    %add3A_120 = arith.constant 1024 : i32
    %add3A_121 = arith.addi %mul3A_2, %add3A_120 : i32
    %dma_start3A_122 = arith.constant 1024 : i32
    %dma_start3A_123 = tpu.memref_slice %arg6[%dma_start3A_122] : memref<2048xf32, #tpu.memory_space<vmem>> -> memref<512xf32, #tpu.memory_space<vmem>>
    %dma_start3A_124 = tpu.memref_slice %arg4[%add3A_121] : memref<65536xf32, #tpu.memory_space<hbm>> -> memref<512xf32, #tpu.memory_space<hbm>>
    %dma_start3A_125 = tpu.memref_slice %arg4[%add3A_121] : memref<65536xf32, #tpu.memory_space<hbm>> -> memref<512xf32, #tpu.memory_space<hbm>>
    %dma_start3A_126 = arith.constant 1024 : i32
    %dma_start3A_127 = tpu.memref_slice %arg6[%dma_start3A_126] : memref<2048xf32, #tpu.memory_space<vmem>> -> memref<512xf32, #tpu.memory_space<vmem>>
    tpu.enqueue_dma source(%dma_start3A_127 : memref<512xf32, #tpu.memory_space<vmem>>) target(%dma_start3A_125 : memref<512xf32, #tpu.memory_space<hbm>>) target_semaphore(%arg8 : memref<!tpu.dma_semaphore, #tpu.memory_space<semaphore_mem>>)
    %dma_wait3A_128 = arith.constant 1536 : i32
    %dma_wait3A_129 = tpu.memref_slice %arg6[%dma_wait3A_128] : memref<2048xf32, #tpu.memory_space<vmem>> -> memref<512xf32, #tpu.memory_space<vmem>>
    %dma_wait3A_130 = arith.constant 0 : i32
    %dma_wait3A_131 = tpu.memref_slice %arg2[%dma_wait3A_130] : memref<102400000xf32, #tpu.memory_space<hbm>> -> memref<512xf32, #tpu.memory_space<hbm>>
    %dma_wait3A_132 = arith.constant 1536 : i32
    %dma_wait3A_133 = tpu.memref_slice %arg6[%dma_wait3A_132] : memref<2048xf32, #tpu.memory_space<vmem>> -> memref<512xf32, #tpu.memory_space<vmem>>
    %dma_wait3A_134 = arith.constant 0 : i32
    %dma_wait3A_135 = tpu.memref_slice %arg2[%dma_wait3A_134] : memref<102400000xf32, #tpu.memory_space<hbm>> -> memref<512xf32, #tpu.memory_space<hbm>>
    tpu.wait_dma2 semaphore(%arg12 : memref<!tpu.dma_semaphore, #tpu.memory_space<semaphore_mem>>) src(%dma_wait3A_135 : memref<512xf32, #tpu.memory_space<hbm>>) dst(%dma_wait3A_133 : memref<512xf32, #tpu.memory_space<vmem>>)
    %add3A_136 = arith.constant 1536 : i32
    %add3A_137 = arith.addi %mul3A_2, %add3A_136 : i32
    %dma_start3A_138 = arith.constant 1536 : i32
    %dma_start3A_139 = tpu.memref_slice %arg6[%dma_start3A_138] : memref<2048xf32, #tpu.memory_space<vmem>> -> memref<512xf32, #tpu.memory_space<vmem>>
    %dma_start3A_140 = tpu.memref_slice %arg4[%add3A_137] : memref<65536xf32, #tpu.memory_space<hbm>> -> memref<512xf32, #tpu.memory_space<hbm>>
    %dma_start3A_141 = tpu.memref_slice %arg4[%add3A_137] : memref<65536xf32, #tpu.memory_space<hbm>> -> memref<512xf32, #tpu.memory_space<hbm>>
    %dma_start3A_142 = arith.constant 1536 : i32
    %dma_start3A_143 = tpu.memref_slice %arg6[%dma_start3A_142] : memref<2048xf32, #tpu.memory_space<vmem>> -> memref<512xf32, #tpu.memory_space<vmem>>
    tpu.enqueue_dma source(%dma_start3A_143 : memref<512xf32, #tpu.memory_space<vmem>>) target(%dma_start3A_141 : memref<512xf32, #tpu.memory_space<hbm>>) target_semaphore(%arg8 : memref<!tpu.dma_semaphore, #tpu.memory_space<semaphore_mem>>)
    %dma_wait3A_144 = arith.constant 0 : i32
    %dma_wait3A_145 = tpu.memref_slice %arg6[%dma_wait3A_144] : memref<2048xf32, #tpu.memory_space<vmem>> -> memref<512xf32, #tpu.memory_space<vmem>>
    %dma_wait3A_146 = tpu.memref_slice %arg4[%add3A_89] : memref<65536xf32, #tpu.memory_space<hbm>> -> memref<512xf32, #tpu.memory_space<hbm>>
    %dma_wait3A_147 = tpu.memref_slice %arg4[%add3A_89] : memref<65536xf32, #tpu.memory_space<hbm>> -> memref<512xf32, #tpu.memory_space<hbm>>
    %dma_wait3A_148 = arith.constant 0 : i32
    %dma_wait3A_149 = tpu.memref_slice %arg6[%dma_wait3A_148] : memref<2048xf32, #tpu.memory_space<vmem>> -> memref<512xf32, #tpu.memory_space<vmem>>
    tpu.wait_dma2 semaphore(%arg8 : memref<!tpu.dma_semaphore, #tpu.memory_space<semaphore_mem>>) src(%dma_wait3A_149 : memref<512xf32, #tpu.memory_space<vmem>>) dst(%dma_wait3A_147 : memref<512xf32, #tpu.memory_space<hbm>>)
    %dma_wait3A_150 = arith.constant 512 : i32
    %dma_wait3A_151 = tpu.memref_slice %arg6[%dma_wait3A_150] : memref<2048xf32, #tpu.memory_space<vmem>> -> memref<512xf32, #tpu.memory_space<vmem>>
    %dma_wait3A_152 = tpu.memref_slice %arg4[%add3A_105] : memref<65536xf32, #tpu.memory_space<hbm>> -> memref<512xf32, #tpu.memory_space<hbm>>
    %dma_wait3A_153 = tpu.memref_slice %arg4[%add3A_105] : memref<65536xf32, #tpu.memory_space<hbm>> -> memref<512xf32, #tpu.memory_space<hbm>>
    %dma_wait3A_154 = arith.constant 512 : i32
    %dma_wait3A_155 = tpu.memref_slice %arg6[%dma_wait3A_154] : memref<2048xf32, #tpu.memory_space<vmem>> -> memref<512xf32, #tpu.memory_space<vmem>>
    tpu.wait_dma2 semaphore(%arg8 : memref<!tpu.dma_semaphore, #tpu.memory_space<semaphore_mem>>) src(%dma_wait3A_155 : memref<512xf32, #tpu.memory_space<vmem>>) dst(%dma_wait3A_153 : memref<512xf32, #tpu.memory_space<hbm>>)
    %dma_wait3A_156 = arith.constant 1024 : i32
    %dma_wait3A_157 = tpu.memref_slice %arg6[%dma_wait3A_156] : memref<2048xf32, #tpu.memory_space<vmem>> -> memref<512xf32, #tpu.memory_space<vmem>>
    %dma_wait3A_158 = tpu.memref_slice %arg4[%add3A_121] : memref<65536xf32, #tpu.memory_space<hbm>> -> memref<512xf32, #tpu.memory_space<hbm>>
    %dma_wait3A_159 = tpu.memref_slice %arg4[%add3A_121] : memref<65536xf32, #tpu.memory_space<hbm>> -> memref<512xf32, #tpu.memory_space<hbm>>
    %dma_wait3A_160 = arith.constant 1024 : i32
    %dma_wait3A_161 = tpu.memref_slice %arg6[%dma_wait3A_160] : memref<2048xf32, #tpu.memory_space<vmem>> -> memref<512xf32, #tpu.memory_space<vmem>>
    tpu.wait_dma2 semaphore(%arg8 : memref<!tpu.dma_semaphore, #tpu.memory_space<semaphore_mem>>) src(%dma_wait3A_161 : memref<512xf32, #tpu.memory_space<vmem>>) dst(%dma_wait3A_159 : memref<512xf32, #tpu.memory_space<hbm>>)
    %dma_wait3A_162 = arith.constant 1536 : i32
    %dma_wait3A_163 = tpu.memref_slice %arg6[%dma_wait3A_162] : memref<2048xf32, #tpu.memory_space<vmem>> -> memref<512xf32, #tpu.memory_space<vmem>>
    %dma_wait3A_164 = tpu.memref_slice %arg4[%add3A_137] : memref<65536xf32, #tpu.memory_space<hbm>> -> memref<512xf32, #tpu.memory_space<hbm>>
    %dma_wait3A_165 = tpu.memref_slice %arg4[%add3A_137] : memref<65536xf32, #tpu.memory_space<hbm>> -> memref<512xf32, #tpu.memory_space<hbm>>
    %dma_wait3A_166 = arith.constant 1536 : i32
    %dma_wait3A_167 = tpu.memref_slice %arg6[%dma_wait3A_166] : memref<2048xf32, #tpu.memory_space<vmem>> -> memref<512xf32, #tpu.memory_space<vmem>>
    tpu.wait_dma2 semaphore(%arg8 : memref<!tpu.dma_semaphore, #tpu.memory_space<semaphore_mem>>) src(%dma_wait3A_167 : memref<512xf32, #tpu.memory_space<vmem>>) dst(%dma_wait3A_165 : memref<512xf32, #tpu.memory_space<hbm>>)
    return
  }
}

</mosaic_0001>

<sc_bundles>
// kernel: _gather_flat.3.cloned.1.call-start
scs
__scs_entry_jumppad:
0x0: {  	(pc) =	sbr.rel $0x88, $3  }
0x1: {  	(tag) =	ssettag $0x0;
	lr =	simm.s32 $0x1  }
0x2: {  	[smem:$0x3F9F] =	sst lr;
	_ =	strace $0xD0000000  }
0x3: {  	_ = 	snop  }
0x4: {  	_ = 	snop  }
0x5: {  	_ = 	snop  }
0x6: {  	_ = 	snop  }
0x7: {  	_ = 	snop  }
__scs_overlays_trampoline_lowered:
0x8: {  	[smem:$0x3FAE] =	sst s0  }
0x9: {  	[smem:$0x3FAF] =	sst s1  }
0xa: {  	[smem:$0x3FB0] =	sst s2  }
0xb: {  	[smem:$0x3FB1] =	sst s3  }
0xc: {  	[smem:$0x3FB2] =	sst s4  }
0xd: {  	[smem:$0x3FB3] =	sst s5  }
0xe: {  	[smem:$0x3FB4] =	sst s6  }
0xf: {  	[smem:$0x3FB5] =	sst s7  }
0x10: {  	[smem:$0x3FB6] =	sst s8  }
0x11: {  	[smem:$0x3FB7] =	sst s9;
	s0 =	simm.s32 @!p0 $0x0  }
0x12: {  	s1 =	sld [smem:$0x3F9D];
	s0 =	simm.s32 @p0 $0x1  }
0x13: {  	[smem:$0x3FB8] =	sst s0;
	s0 =	simm.s32 @!p1 $0x0  }
0x14: {  	s2 =	sld [smem:$0x3F9C];
	s0 =	simm.s32 @p1 $0x1  }
0x15: {  	[smem:$0x3FB9] =	sst s0;
	s0 =	simm.s32 @!p2 $0x0  }
0x16: {  	s3 =	sld [smem:$0x3FDB];
	s0 =	simm.s32 @p2 $0x1  }
0x17: {  	s4 =	simm.s32 $0x1BF5;
	[smem:$0x3FBB] =	sst s0  }
0x18: {  	s0 =	sld [smem:$0x3F9E];
	_ =	swait.ge [sflag:s4], $0x0  }
0x19: {  	s7 =	sld [smem:$0x3F9F]  }
0x1a: {  	s8 =	sadd.s32 $0xFFFFE003, lr  }
0x1b: {  	s9 =	sadd.s32 $0xFFFFFEF7, lr;
	s5 =	simm.s32 $0xFFFFFFFF;
	p2 =	slt.u32 s8, $0xFFFFF086  }
0x1c: {  	p1 =	slt.u32 s9, $0xF7A;
	s5 =	simm.s32 @!p2 $0x0  }
0x1d: {  	s5 =	simm.s32 @p1 $0x1;
	p0 =	seq.s32 s7, s2  }
0x1e: {  	s7 =	smul.u32 @!p0 $0xF7A, s2;
	p2 =	seq.s32 @!p0 s5, $0x0  }
0x1f: {  	s9 =	smul.u32 $0xF7A, s1;
	s8 =	simm.s32 @!p0 $0x1BF5;
	p2 =	por !p2, p0  }
0x20: {  	[sflag:s8] =	ssyncset.s32 @!p0 $0xFFFFF086;
	s6 =	sadd.s32 @!p0 s3, s7;
	s7 =	simm.s32 @!p0 $0x108  }
0x21: {  	s3 =	sadd.s32 s3, s9;
	s6 =	sadd.s32 @!p0 $0x88, s6;
	s7 =	simm.s32 @p2 $0x1082  }
0x22: {  	[simem:s7], [sflag:s8] =	dma.local @!p0 [hbm:s6], $0xF7A  }
0x23: {  	s9 =	sor.u32 $0xD0000000, s2;
	s6 =	simm.s32 $0x108;
	_ =	swait.ge @!p0 [sflag:s8], $0x0  }
0x24: {  	s3 =	sadd.s32 $0x88, s3;
	s6 =	simm.s32 @!p1 $0x1082;
	[sflag:s4] =	ssyncset.s32 $0xFFFFF086  }
0x25: {  	[simem:s6], [sflag:s4] =	dma.local [hbm:s3], $0xF7A  }
0x26: {  	[smem:$0x3F9F] =	sst s1;
	(tag) =	ssettag s2;
	_ =	strace s9  }
0x27: {  	s1 =	sld [smem:$0x3FAF]  }
0x28: {  	s2 =	sld [smem:$0x3FB0]  }
0x29: {  	s4 =	sld [smem:$0x3FB2]  }
0x2a: {  	p0 =	seq.s32 s5, $0x0;
	s5 =	sld [smem:$0x3FB3]  }
0x2b: {  	s6 =	sld [smem:$0x3FB4]  }
0x2c: {  	s7 =	sld [smem:$0x3FB5]  }
0x2d: {  	s3 =	simm.s32 $0x108;
	s8 =	sld [smem:$0x3FB6]  }
0x2e: {  	s3 =	simm.s32 @!p0 $0x1082;
	s9 =	sld [smem:$0x3FB7]  }
0x2f: {  	lr =	sadd.s32 s0, s3;
	s0 =	sld [smem:$0x3FAE]  }
0x30: {  	s3 =	sld [smem:$0x3FB1]  }
0x31: {  	[smem:$0x3FBA] =	sst s10  }
0x32: {  	s10 =	sld [smem:$0x3FB8];
	_ =	sdelay $0x3  }
0x33: {  	p0 =	seq.s32 s10, $0x1;
	s10 =	sld [smem:$0x3FBA];
	_ =	sdelay $0x3  }
0x34: {  	[smem:$0x3FBA] =	sst s10  }
0x35: {  	s10 =	sld [smem:$0x3FB9];
	_ =	sdelay $0x3  }
0x36: {  	p1 =	seq.s32 s10, $0x1;
	s10 =	sld [smem:$0x3FBA];
	_ =	sdelay $0x3  }
0x37: {  	[smem:$0x3FBA] =	sst s10  }
0x38: {  	s10 =	sld [smem:$0x3FBB]  }
0x39: {  	_ = 	snop;
	(pc) =	sbr.ind lr, $3  }
0x3a: {  	_ = 	snop  }
0x3b: {  	_ = 	snop  }
0x3c: {  	p2 =	seq.s32 s10, $0x1;
	s10 =	sld [smem:$0x3FBA]  }
0x3d: {  	_ =	shalt  }
0x3e: {  	_ =	shalt  }
0x3f: {  	_ =	shalt  }
0x40: {  	_ =	shalt  }
0x41: {  	_ =	shalt  }
0x42: {  	_ =	shalt  }
0x43: {  	_ =	shalt  }
0x44: {  	_ =	shalt  }
0x45: {  	_ =	shalt  }
0x46: {  	_ =	shalt  }
0x47: {  	_ =	shalt  }
0x48: {  	_ =	shalt  }
0x49: {  	_ =	shalt  }
0x4a: {  	_ =	shalt  }
0x4b: {  	_ =	shalt  }
0x4c: {  	_ =	shalt  }
0x4d: {  	_ =	shalt  }
0x4e: {  	_ =	shalt  }
0x4f: {  	_ =	shalt  }
0x50: {  	_ =	shalt  }
0x51: {  	_ =	shalt  }
0x52: {  	_ =	shalt  }
0x53: {  	_ =	shalt  }
0x54: {  	_ =	shalt  }
0x55: {  	_ =	shalt  }
0x56: {  	_ =	shalt  }
0x57: {  	_ =	shalt  }
0x58: {  	_ =	shalt  }
0x59: {  	_ =	shalt  }
0x5a: {  	_ =	shalt  }
0x5b: {  	_ =	shalt  }
0x5c: {  	_ =	shalt  }
0x5d: {  	_ =	shalt  }
0x5e: {  	_ =	shalt  }
0x5f: {  	_ =	shalt  }
0x60: {  	_ =	shalt  }
0x61: {  	_ =	shalt  }
0x62: {  	_ =	shalt  }
0x63: {  	_ =	shalt  }
0x64: {  	_ =	shalt  }
0x65: {  	_ =	shalt  }
0x66: {  	_ =	shalt  }
0x67: {  	_ =	shalt  }
0x68: {  	_ =	shalt  }
0x69: {  	_ =	shalt  }
0x6a: {  	_ =	shalt  }
0x6b: {  	_ =	shalt  }
0x6c: {  	_ =	shalt  }
0x6d: {  	_ =	shalt  }
0x6e: {  	_ =	shalt  }
0x6f: {  	_ =	shalt  }
0x70: {  	_ =	shalt  }
0x71: {  	_ =	shalt  }
0x72: {  	_ =	shalt  }
0x73: {  	_ =	shalt  }
0x74: {  	_ =	shalt  }
0x75: {  	_ =	shalt  }
0x76: {  	_ =	shalt  }
0x77: {  	_ =	shalt  }
0x78: {  	_ =	shalt  }
0x79: {  	_ =	shalt  }
0x7a: {  	_ =	shalt  }
0x7b: {  	_ =	shalt  }
0x7c: {  	_ =	shalt  }
0x7d: {  	_ =	shalt  }
0x7e: {  	_ =	shalt  }
0x7f: {  	_ =	shalt  }
0x80: {  	_ =	shalt  }
0x81: {  	_ =	shalt  }
0x82: {  	_ =	shalt  }
0x83: {  	_ =	shalt  }
0x84: {  	_ =	shalt  }
0x85: {  	_ =	shalt  }
0x86: {  	_ =	shalt  }
0x87: {  	_ =	shalt  }
.Lfunc_end0:
.L_simem_size_0:
called_computation_lowered:
.L_overlay_start_0:
0x88: {  	s2 =	sld [smem:$0x3FD9]  }
0x89: {  	s3 =	sld [smem:$0x3FFE];
	_ =	sdelay $0x1  }
0x8a: {  	s1 =	srdreg.scid  }
0x8b: {  	s0 =	sand.u32 $0x1, s1  }
0x8c: {  	s18 =	sshll.u32 s0, $0xA;
	s2 =	sadd.s32 s3, s2  }
0x8d: {  	s2 =	sadd.s32 s2, s18  }
0x8e: {  	[smem:$0x3FC6] =	sst s2  }
0x8f: {  	_ = 	snop  }
0x90: {  	s2 =	sld [smem:$0x3FC9]  }
0x91: {  	s19 =	sld [smem:$0x3FC8]  }
0x92: {  	s4 =	sld [smem:$0x3FD0];
	(tm) =	ssettm $0x1  }
0x93: {  	s5 =	sld [smem:$0x3FFB];
	_ =	sdelay $0x3  }
0x94: {  	_ =	strace s5  }
0x95: {  	s5 =	sld [smem:$0x3FFC];
	_ =	sdelay $0x3  }
0x96: {  	_ =	strace s5  }
0x97: {  	s5 =	sld [smem:$0x3FFD];
	_ =	sdelay $0x3  }
0x98: {  	_ =	strace s5  }
0x99: {  	_ =	strace $0x8FFFFFFF  }
0x9a: {  	s20 =	sld [smem:$0x3FDB];
	_ =	sdelay $0x1  }
0x9b: {  	s6 =	simm.s32 $_scs_section_size  }
0x9c: {  	s7 =	simm.s32 $_size__tile_overlayer_lowered;
	s8 =	simm.s32 $_tile_overlayer_lowered  }
0x9d: {  	s23 =	simm.s32 $0x1BFF;
	s22 =	sshll.u32 s8, $0x1;
	s5 =	sadd.s32 s6, s20  }
0x9e: {  	s9 =	simm.s32 $0x0;
	s21 =	sshll.u32 s7, $0x1;
	s7 =	sadd.s32 s22, s5  }
0x9f: {  	[timem:s9], [sflag:s23] =	dma.local [hbm:s7], s21  }
0xa0: {  	_ =	swait.ge [sflag:s23], s21  }
0xa1: {  	s6 =	ssub.s32 $0x0, s21;
	[sflag:s23] =	ssyncset.done $0x0  }
0xa2: {  	[sflag:s23] =	ssyncadd.s32 s6;
	_ =	sdelay $0x1  }
0xa3: {  	s24 =	simm.s32 $0x1B8B  }
0xa4: {  	_ =	swait.ge [sflag:s24], $0x1  }
0xa5: {  	[sflag:s24] =	ssyncset.done $0x0  }
0xa6: {  	s25 =	simm.s32 $0x1B8E;
	[sflag:s24] =	ssyncadd.s32 $0xFFFFFFFF  }
0xa7: {  	s26 =	simm.s32 $execute0_lowered;
	[smem:$0x3FD2] =	sst s25  }
0xa8: {  	s6 =	sshll.u32 s26, $0x1;
	_ =	strace $0x80000046;
	[dreg:$0x1] =	wrdreg $0xFFFFFFFF  }
0xa9: {  	s28 =	simm.s32 $_size_execute0_lowered;
	s5 =	sadd.s32 s5, s6;
	[dreg:$0x0] =	wrdreg $0x0  }
0xaa: {  	s6 =	sshll.u32 s28, $0x1;
	[dreg:$0x2] =	wrdreg s5  }
0xab: {  	[dreg:$0x3] =	wrdreg s6  }
0xac: {  	[dreg:$0x4] =	wrdreg $0xC0  }
0xad: {  	_ =	task [dreg:s9], $0x5FFFF  }
0xae: {  	[dreg:$0x1] =	wrdreg $0xFFFFFFFF  }
0xaf: {  	[dreg:$0x0] =	wrdreg $0x60  }
0xb0: {  	[dreg:$0x2] =	wrdreg s2  }
0xb1: {  	[dreg:$0x3] =	wrdreg s19  }
0xb2: {  	[dreg:$0x4] =	wrdreg s4  }
0xb3: {  	[dreg:$0x5] =	wrdreg $0x9  }
0xb4: {  	_ =	task.clear_ibuf [dreg:s9], $0x6FFFF;
	_ =	strace $0x90000046  }
0xb5: {  	s29 =	simm.s32 $0x9;
	_ =	strace $0x80000048  }
0xb6: {  	_ =	swait.ge [sflag:s29], $0x1  }
0xb7: {  	[sflag:s29] =	ssyncadd.s32 $0xFFFFFFFF  }
0xb8: {  	_ =	strace $0x90000048  }
0xb9: {  	_ =	sfence  }
0xba: {  	s30 =	sld [smem:$0x0];
	_ =	sdelay $0x2  }
0xbb: {  	s31 =	sshll.u32 s1, $0xD;
	s1 =	sshrl.u32 s1, $0x2  }
0xbc: {  	s3 =	sand.u32 $0x4000, s31;
	s1 =	sadd.s32 s1, s30  }
0xbd: {  	s0 =	sor.u32 s3, s0;
	s1 =	sshll.u32 s1, $0x11  }
0xbe: {  	s0 =	sor.u32 s1, s0  }
0xbf: {  	s0 =	sadd.s32 $0x8F2B, s0  }
0xc0: {  	[sflag:s0] =	ssyncadd.remote.s32 $0x1  }
0xc1: {  	_ =	sfence.sel $0xFFFF  }
0xc2: {  	[dreg:$0x0] =	wrdreg $0xFFFFFFFF;
	(pc) =	sbr.abs _section_cstart, $3  }
0xc3: {  	[dreg:$0x1] =	wrdreg $0xFFFFFFFF  }
0xc4: {  	_ =	task.clear_ibuf [dreg:s9], $0x2FFFF;
	_ =	strace $0x9FFFFFFF  }
0xc5: {  	(tm) =	ssettm $0x7FFFFFFF  }
tec
execute0_lowered:
.L_overlay_start_1:
0x0: {  	(tag) =	ssettag $0x1  }
0x1: {  	s2 =	rddreg [dreg:$0x0]  }
0x2: {  	s0 =	rddreg [dreg:$0x1];
	s1 =	srdreg.scid  }
0x3: {  	s11 =	rddreg [dreg:$0x2];
	s3 =	stileid.u32  }
0x4: {  	s18 =	simm.s32 $0x1;
	s19 =	simm.s32 $0x80;
	s20 =	simm.s32 $0x3  }
0x5: {  	s22 =	simm.s32 $0x4;
	s23 =	simm.s32 $0xA00;
	s1 =	sand.u32 $0x1, s1  }
0x6: {  	s4 =	sshll.u32 s3, $0xC;
	s3 =	simm.s32 $0x0;
	s5 =	sshll.u32 s1, $0xB  }
0x7: {  	s1 =	ssub.s32 $0x2, s1;
	[smem:$0x7FF] =	sst s3;
	s13 =	sor.u32 s5, s4  }
0x8: {  	s26 =	sshrl.u32 s1, $0x1;
	_ =	strace $0x80000047;
	s8 =	sshrl.u32 s13, $0x3  }
0x9: {  	s1 =	ssub.s32 s1, s26;
	s21 =	sand.u32 $0x1800, s13;
	s15 =	sor.u32 $0x400, s13  }
0xa: {  	s14 =	sor.u32 $0x600, s13;
	s9 =	sor.u32 $0x40, s8;
	s4 =	sadd.s32 s0, s8  }
0xb: {  	s10 =	sor.u32 $0x80, s8;
	s12 =	sor.u32 $0xC0, s8;
	s31 =	sor.u32 $0x10, s21  }
0xc: {  	s24 =	sor.u32 $0x20, s21;
	s25 =	sor.u32 $0x30, s21;
	s26 =	sor.u32 $0x40, s21  }
0xd: {  	v0 =	vlaneseq.u32;
	s28 =	sor.u32 $0x50, s21;
	s29 =	sor.u32 $0x60, s21;
	s30 =	sor.u32 $0x70, s21  }
0xe: {  	s8 =	sadd.s32 s11, s8;
	v1 =	vor.u32 s21, v0;
	s21 =	simm.s32 $0x800;
	s5 =	sadd.s32 s0, s9  }
0xf: {  	s6 =	sadd.s32 s0, s10;
	s7 =	sadd.s32 s0, s12;
	s9 =	sadd.s32 s11, s9  }
0x10: {  	s10 =	sadd.s32 s11, s10;
	s11 =	sadd.s32 s11, s12;
	s12 =	smax.u32 s1, $0x1;
	v2 =	vor.u32 s31, v0  }
0x11: {  	v3 =	vor.u32 s24, v0;
	v4 =	vor.u32 s25, v0;
	v5 =	vor.u32 s26, v0;
	s24 =	simm.s32 $0x5;
	s25 =	simm.s32 $0xC00;
	s26 =	simm.s32 $0x6  }
0x12: {  	v6 =	vor.u32 s28, v0;
	v7 =	vor.u32 s29, v0;
	v8 =	vor.u32 s30, v0;
	s28 =	simm.s32 $0xE00;
	s29 =	simm.s32 $0x2;
	s30 =	simm.s32 $0x0  }
.LBB2_1:
0x13: {  	[tilespmem:s3], [sflag:$0x1] =	stream.linear.gather [hbm4b:s4+s3], $0x200, $0x38;
	[tilespmem:$0x1000] =	vst v63  }
0x14: {  	s0 =	simm.s32 $0x200  }
0x15: {  	[tilespmem:s0], [sflag:$0x1] =	stream.linear.gather [hbm4b:s5+s3], $0x200, $0x38;
	[tilespmem:$0x1000] =	vst v63  }
0x16: {  	s16 =	simm.s32 $0x400  }
0x17: {  	[tilespmem:s16], [sflag:$0x1] =	stream.linear.gather [hbm4b:s6+s3], $0x200, $0x38;
	[tilespmem:$0x1000] =	vst v63  }
0x18: {  	s17 =	simm.s32 $0x600  }
0x19: {  	[tilespmem:s17], [sflag:$0x1] =	stream.linear.gather [hbm4b:s7+s3], $0x200, $0x38;
	[tilespmem:$0x1000] =	vst v63  }
0x1a: {  	_ =	swait.ge [sflag:s18], $0x200  }
0x1b: {  	[sflag:s18] =	ssyncset.done $0x0  }
0x1c: {  	s31 =	simm.s32 $0x0;
	[sflag:s18] =	ssyncadd.s32 $0xFFFFFE00  }
0x1d: {  	v9 =	vld [tilespmem:s31+$0x0]  }
0x1e: {  	v10 =	vld [tilespmem:s31+$0x10];
	_ =	sdelay $0x2  }
0x1f: {  	v11 =	vld [tilespmem:s31+$0x20]  }
0x20: {  	v13 =	vld [tilespmem:s31+$0x30]  }
0x21: {  	v12 =	vshll.u32 v9, $0xA;
	v9 =	vshll.u32 v9, $0x7;
	v14 =	vshll.u32 v10, $0xA  }
0x22: {  	v10 =	vshll.u32 v10, $0x7;
	v12 =	vand.u32 $0xFFFFE000, v12;
	v9 =	vand.u32 $0x380, v9  }
0x23: {  	v14 =	vand.u32 $0xFFFFE000, v14;
	v15 =	vand.u32 $0x380, v10;
	v9 =	vor.u32 v12, v9;
	v12 =	vld [tilespmem:s31+$0x40]  }
0x24: {  	v10 =	vor.u32 v1, v9;
	v9 =	vor.u32 v14, v15;
	v14 =	vshll.u32 v11, $0xA  }
0x25: {  	v16 =	vshll.u32 v13, $0xA;
	v11 =	vshll.u32 v11, $0x7;
	v15 =	vand.u32 $0xFFFFE000, v14;
	v14 =	vld [tilespmem:s31+$0x50]  }
0x26: {  	v13 =	vshll.u32 v13, $0x7;
	v16 =	vand.u32 $0xFFFFE000, v16;
	v11 =	vand.u32 $0x380, v11  }
0x27: {  	v17 =	vand.u32 $0x380, v13;
	v9 =	vor.u32 v2, v9;
	v15 =	vor.u32 v15, v11;
	v11 =	vld [tilespmem:s31+$0x60]  }
0x28: {  	s0 =	simm.s32 $0x200;
	v13 =	vor.u32 v3, v15;
	v15 =	vor.u32 v16, v17;
	v16 =	vshll.u32 v12, $0xA  }
.LBB2_2:
0x29: {  	p0 =	sne.s32 s0, $0x600;
	v15 =	vor.u32 v4, v15;
	v16 =	vand.u32 $0xFFFFE000, v16;
	v12 =	vshll.u32 v12, $0x7;
	v17 =	vld [tilespmem:s31+$0x70]  }
0x2a: {  	v12 =	vand.u32 $0x380, v12;
	v18 =	vshll.u32 v14, $0xA;
	v14 =	vshll.u32 v14, $0x7  }
0x2b: {  	[tilespmem:s31+$0x0] =	vst v10;
	v10 =	vor.u32 v16, v12;
	v12 =	vand.u32 $0xFFFFE000, v18;
	v14 =	vand.u32 $0x380, v14  }
0x2c: {  	[tilespmem:s31+$0x10] =	vst v9;
	v9 =	vor.u32 v5, v10;
	v10 =	vor.u32 v12, v14;
	v12 =	vshll.u32 v11, $0xA  }
0x2d: {  	v11 =	vshll.u32 v11, $0x7;
	[tilespmem:s31+$0x20] =	vst v13;
	v10 =	vor.u32 v6, v10;
	v12 =	vand.u32 $0xFFFFE000, v12  }
0x2e: {  	v11 =	vand.u32 $0x380, v11;
	[tilespmem:s31+$0x30] =	vst v15;
	v13 =	vshll.u32 v17, $0xA;
	v14 =	vshll.u32 v17, $0x7  }
0x2f: {  	[tilespmem:s31+$0x40] =	vst v9;
	v9 =	vor.u32 v12, v11;
	v11 =	vand.u32 $0xFFFFE000, v13;
	v12 =	vand.u32 $0x380, v14  }
0x30: {  	[tilespmem:s31+$0x50] =	vst v10;
	v9 =	vor.u32 v7, v9;
	v10 =	vor.u32 v11, v12  }
0x31: {  	s1 =	sshra.s32 s0, $0x2;
	s13 =	sadd.s32 $0x800, s31;
	[tilespmem:s31+$0x60] =	vst v9;
	v9 =	vor.u32 v8, v10  }
0x32: {  	[tilespmem:s31+$0x70] =	vst v9;
	[tilespmem:s13], [sflag:$0x3] =	stream.indirect.gather [hbm4b:s2+s19], $0x1, s31, s19, $0xb8  }
0x33: {  	s31 =	smov.u32 s1;
	v9 =	vld [tilespmem:s1+$0x0];
	_ =	sdelay $0x1  }
0x34: {  	v10 =	vld [tilespmem:s31+$0x10];
	_ =	sdelay $0x1  }
0x35: {  	v11 =	vld [tilespmem:s31+$0x20]  }
0x36: {  	v12 =	vshll.u32 v9, $0xA  }
0x37: {  	v9 =	vshll.u32 v9, $0x7;
	v12 =	vand.u32 $0xFFFFE000, v12;
	v13 =	vld [tilespmem:s31+$0x30]  }
0x38: {  	v9 =	vand.u32 $0x380, v9;
	v14 =	vshll.u32 v10, $0xA;
	v10 =	vshll.u32 v10, $0x7  }
0x39: {  	v9 =	vor.u32 v12, v9;
	v14 =	vand.u32 $0xFFFFE000, v14;
	v15 =	vand.u32 $0x380, v10;
	v12 =	vld [tilespmem:s31+$0x40]  }
.Ltmp0:
0x3a: {  	v10 =	vor.u32 v1, v9;
	v9 =	vor.u32 v14, v15;
	v14 =	vshll.u32 v11, $0xA;
	(pc) =	sbr.rel @p0 .LBB2_2-.Ltmp0, $4  }
0x3b: {  	v11 =	vshll.u32 v11, $0x7;
	v9 =	vor.u32 v2, v9;
	v15 =	vand.u32 $0xFFFFE000, v14;
	v14 =	vld [tilespmem:s31+$0x50]  }
0x3c: {  	v11 =	vand.u32 $0x380, v11;
	v16 =	vshll.u32 v13, $0xA;
	v13 =	vshll.u32 v13, $0x7  }
0x3d: {  	v15 =	vor.u32 v15, v11;
	v16 =	vand.u32 $0xFFFFE000, v16;
	v17 =	vand.u32 $0x380, v13;
	v11 =	vld [tilespmem:s31+$0x60]  }
0x3e: {  	s0 =	sadd.s32 $0x200, s0;
	v13 =	vor.u32 v3, v15;
	v15 =	vor.u32 v16, v17;
	v16 =	vshll.u32 v12, $0xA  }
0x3f: {  	v15 =	vor.u32 v4, v15;
	v16 =	vand.u32 $0xFFFFE000, v16;
	v12 =	vshll.u32 v12, $0x7;
	v17 =	vld [tilespmem:s31+$0x70]  }
0x40: {  	v12 =	vand.u32 $0x380, v12;
	v18 =	vshll.u32 v14, $0xA;
	v14 =	vshll.u32 v14, $0x7  }
0x41: {  	[tilespmem:s31+$0x0] =	vst v10;
	v10 =	vor.u32 v16, v12;
	v12 =	vand.u32 $0xFFFFE000, v18;
	v14 =	vand.u32 $0x380, v14  }
0x42: {  	[tilespmem:s31+$0x10] =	vst v9;
	v9 =	vor.u32 v5, v10;
	v10 =	vor.u32 v12, v14;
	v12 =	vshll.u32 v11, $0xA  }
0x43: {  	[tilespmem:s31+$0x20] =	vst v13;
	v11 =	vshll.u32 v11, $0x7;
	v10 =	vor.u32 v6, v10;
	v12 =	vand.u32 $0xFFFFE000, v12  }
0x44: {  	[tilespmem:s31+$0x30] =	vst v15;
	v11 =	vand.u32 $0x380, v11;
	v13 =	vshll.u32 v17, $0xA;
	v14 =	vshll.u32 v17, $0x7  }
0x45: {  	[tilespmem:s31+$0x40] =	vst v9;
	v9 =	vor.u32 v12, v11;
	v11 =	vand.u32 $0xFFFFE000, v13;
	v12 =	vand.u32 $0x380, v14  }
0x46: {  	[tilespmem:s31+$0x50] =	vst v10;
	v9 =	vor.u32 v7, v9;
	v10 =	vor.u32 v11, v12  }
0x47: {  	[tilespmem:s31+$0x60] =	vst v9;
	v9 =	vor.u32 v8, v10  }
0x48: {  	s0 =	sadd.s32 $0x800, s31;
	[tilespmem:s31+$0x70] =	vst v9  }
0x49: {  	[tilespmem:s0], [sflag:$0x3] =	stream.indirect.gather [hbm4b:s2+s19], $0x1, s31, s19, $0xb8;
	[tilespmem:$0x1000] =	vst v63  }
0x4a: {  	_ =	swait.ge [sflag:s18], $0x200  }
0x4b: {  	[sflag:s18] =	ssyncset.done $0x0  }
0x4c: {  	s31 =	simm.s32 $0x0;
	[sflag:s18] =	ssyncadd.s32 $0xFFFFFE00  }
0x4d: {  	v9 =	vld [tilespmem:s31+$0x200]  }
0x4e: {  	v10 =	vld [tilespmem:s31+$0x210];
	_ =	sdelay $0x2  }
0x4f: {  	v11 =	vld [tilespmem:s31+$0x220]  }
0x50: {  	v13 =	vld [tilespmem:s31+$0x230]  }
0x51: {  	v12 =	vshll.u32 v9, $0xA;
	v9 =	vshll.u32 v9, $0x7;
	v14 =	vshll.u32 v10, $0xA  }
0x52: {  	v10 =	vshll.u32 v10, $0x7;
	v12 =	vand.u32 $0xFFFFE000, v12;
	v9 =	vand.u32 $0x380, v9  }
0x53: {  	v14 =	vand.u32 $0xFFFFE000, v14;
	v15 =	vand.u32 $0x380, v10;
	v9 =	vor.u32 v12, v9;
	v12 =	vld [tilespmem:s31+$0x240]  }
0x54: {  	v10 =	vor.u32 v1, v9;
	v9 =	vor.u32 v14, v15;
	v14 =	vshll.u32 v11, $0xA  }
0x55: {  	v16 =	vshll.u32 v13, $0xA;
	v11 =	vshll.u32 v11, $0x7;
	v15 =	vand.u32 $0xFFFFE000, v14;
	v14 =	vld [tilespmem:s31+$0x250]  }
0x56: {  	v13 =	vshll.u32 v13, $0x7;
	v16 =	vand.u32 $0xFFFFE000, v16;
	v11 =	vand.u32 $0x380, v11  }
0x57: {  	v17 =	vand.u32 $0x380, v13;
	v9 =	vor.u32 v2, v9;
	v15 =	vor.u32 v15, v11;
	v11 =	vld [tilespmem:s31+$0x260]  }
0x58: {  	s0 =	simm.s32 $0x200;
	v13 =	vor.u32 v3, v15;
	v15 =	vor.u32 v16, v17;
	v16 =	vshll.u32 v12, $0xA  }
.LBB2_4:
0x59: {  	p0 =	sne.s32 s0, $0x600;
	v15 =	vor.u32 v4, v15;
	v16 =	vand.u32 $0xFFFFE000, v16;
	v12 =	vshll.u32 v12, $0x7;
	v17 =	vld [tilespmem:s31+$0x270]  }
0x5a: {  	v12 =	vand.u32 $0x380, v12;
	v18 =	vshll.u32 v14, $0xA;
	v14 =	vshll.u32 v14, $0x7  }
0x5b: {  	[tilespmem:s31+$0x200] =	vst v10;
	v10 =	vor.u32 v16, v12;
	v12 =	vand.u32 $0xFFFFE000, v18;
	v14 =	vand.u32 $0x380, v14  }
0x5c: {  	[tilespmem:s31+$0x210] =	vst v9;
	v9 =	vor.u32 v5, v10;
	v10 =	vor.u32 v12, v14;
	v12 =	vshll.u32 v11, $0xA  }
0x5d: {  	v11 =	vshll.u32 v11, $0x7;
	[tilespmem:s31+$0x220] =	vst v13;
	v10 =	vor.u32 v6, v10;
	v12 =	vand.u32 $0xFFFFE000, v12  }
0x5e: {  	v11 =	vand.u32 $0x380, v11;
	[tilespmem:s31+$0x230] =	vst v15;
	v13 =	vshll.u32 v17, $0xA;
	v14 =	vshll.u32 v17, $0x7  }
0x5f: {  	[tilespmem:s31+$0x240] =	vst v9;
	v9 =	vor.u32 v12, v11;
	v11 =	vand.u32 $0xFFFFE000, v13;
	v12 =	vand.u32 $0x380, v14  }
0x60: {  	[tilespmem:s31+$0x250] =	vst v10;
	v9 =	vor.u32 v7, v9;
	v10 =	vor.u32 v11, v12  }
0x61: {  	s1 =	sshra.s32 s0, $0x2;
	s13 =	sadd.s32 $0x200, s31;
	s16 =	sadd.s32 $0xA00, s31;
	[tilespmem:s31+$0x260] =	vst v9;
	v9 =	vor.u32 v8, v10  }
0x62: {  	[tilespmem:s31+$0x270] =	vst v9;
	[tilespmem:s16], [sflag:$0x4] =	stream.indirect.gather [hbm4b:s2+s19], $0x1, s13, s19, $0xb8  }
0x63: {  	s31 =	smov.u32 s1;
	v9 =	vld [tilespmem:s1+$0x200];
	_ =	sdelay $0x1  }
0x64: {  	v10 =	vld [tilespmem:s31+$0x210];
	_ =	sdelay $0x1  }
0x65: {  	v11 =	vld [tilespmem:s31+$0x220]  }
0x66: {  	v12 =	vshll.u32 v9, $0xA  }
0x67: {  	v9 =	vshll.u32 v9, $0x7;
	v12 =	vand.u32 $0xFFFFE000, v12;
	v13 =	vld [tilespmem:s31+$0x230]  }
0x68: {  	v9 =	vand.u32 $0x380, v9;
	v14 =	vshll.u32 v10, $0xA;
	v10 =	vshll.u32 v10, $0x7  }
0x69: {  	v9 =	vor.u32 v12, v9;
	v14 =	vand.u32 $0xFFFFE000, v14;
	v15 =	vand.u32 $0x380, v10;
	v12 =	vld [tilespmem:s31+$0x240]  }
.Ltmp1:
0x6a: {  	v10 =	vor.u32 v1, v9;
	v9 =	vor.u32 v14, v15;
	v14 =	vshll.u32 v11, $0xA;
	(pc) =	sbr.rel @p0 .LBB2_4-.Ltmp1, $4  }
0x6b: {  	v11 =	vshll.u32 v11, $0x7;
	v9 =	vor.u32 v2, v9;
	v15 =	vand.u32 $0xFFFFE000, v14;
	v14 =	vld [tilespmem:s31+$0x250]  }
0x6c: {  	v11 =	vand.u32 $0x380, v11;
	v16 =	vshll.u32 v13, $0xA;
	v13 =	vshll.u32 v13, $0x7  }
0x6d: {  	v15 =	vor.u32 v15, v11;
	v16 =	vand.u32 $0xFFFFE000, v16;
	v17 =	vand.u32 $0x380, v13;
	v11 =	vld [tilespmem:s31+$0x260]  }
0x6e: {  	s0 =	sadd.s32 $0x200, s0;
	v13 =	vor.u32 v3, v15;
	v15 =	vor.u32 v16, v17;
	v16 =	vshll.u32 v12, $0xA  }
0x6f: {  	v15 =	vor.u32 v4, v15;
	v16 =	vand.u32 $0xFFFFE000, v16;
	v12 =	vshll.u32 v12, $0x7;
	v17 =	vld [tilespmem:s31+$0x270]  }
0x70: {  	v12 =	vand.u32 $0x380, v12;
	v18 =	vshll.u32 v14, $0xA;
	v14 =	vshll.u32 v14, $0x7  }
0x71: {  	[tilespmem:s31+$0x200] =	vst v10;
	v10 =	vor.u32 v16, v12;
	v12 =	vand.u32 $0xFFFFE000, v18;
	v14 =	vand.u32 $0x380, v14  }
0x72: {  	[tilespmem:s31+$0x210] =	vst v9;
	v9 =	vor.u32 v5, v10;
	v10 =	vor.u32 v12, v14;
	v12 =	vshll.u32 v11, $0xA  }
0x73: {  	[tilespmem:s31+$0x220] =	vst v13;
	v11 =	vshll.u32 v11, $0x7;
	v10 =	vor.u32 v6, v10;
	v12 =	vand.u32 $0xFFFFE000, v12  }
0x74: {  	[tilespmem:s31+$0x230] =	vst v15;
	v11 =	vand.u32 $0x380, v11;
	v13 =	vshll.u32 v17, $0xA;
	v14 =	vshll.u32 v17, $0x7  }
0x75: {  	[tilespmem:s31+$0x240] =	vst v9;
	v9 =	vor.u32 v12, v11;
	v11 =	vand.u32 $0xFFFFE000, v13;
	v12 =	vand.u32 $0x380, v14  }
0x76: {  	[tilespmem:s31+$0x250] =	vst v10;
	v9 =	vor.u32 v7, v9;
	v10 =	vor.u32 v11, v12  }
0x77: {  	[tilespmem:s31+$0x260] =	vst v9;
	v9 =	vor.u32 v8, v10  }
0x78: {  	s0 =	sadd.s32 $0x200, s31;
	s1 =	sadd.s32 $0xA00, s31;
	[tilespmem:s31+$0x270] =	vst v9  }
0x79: {  	[tilespmem:s1], [sflag:$0x4] =	stream.indirect.gather [hbm4b:s2+s19], $0x1, s0, s19, $0xb8;
	[tilespmem:$0x1000] =	vst v63  }
0x7a: {  	_ =	swait.ge [sflag:s18], $0x200  }
0x7b: {  	[sflag:s18] =	ssyncset.done $0x0  }
0x7c: {  	s31 =	simm.s32 $0x0;
	[sflag:s18] =	ssyncadd.s32 $0xFFFFFE00  }
0x7d: {  	v9 =	vld [tilespmem:s31+$0x400]  }
0x7e: {  	v10 =	vld [tilespmem:s31+$0x410];
	_ =	sdelay $0x2  }
0x7f: {  	v11 =	vld [tilespmem:s31+$0x420]  }
0x80: {  	v12 =	vshll.u32 v9, $0xA;
	v9 =	vshll.u32 v9, $0x7  }
0x81: {  	s0 =	sand.u32 $0x1C00, s15;
	v14 =	vld [tilespmem:s31+$0x430];
	v13 =	vshll.u32 v10, $0x7;
	v10 =	vshll.u32 v10, $0xA;
	v9 =	vand.u32 $0x380, v9  }
0x82: {  	s13 =	sor.u32 $0x10, s0;
	v12 =	vand.u32 $0xFFFFE000, v12;
	v13 =	vand.u32 $0x380, v13;
	v9 =	vor.u32 s0, v9  }
0x83: {  	v10 =	vand.u32 $0xFFFFE000, v10;
	v9 =	vor.u32 v12, v9;
	v12 =	vor.u32 s13, v13  }
0x84: {  	v16 =	vld [tilespmem:s31+$0x440];
	v10 =	vor.u32 v10, v12;
	v12 =	vshll.u32 v11, $0x7  }
0x85: {  	s16 =	sor.u32 $0x20, s0;
	v11 =	vshll.u32 v11, $0xA;
	v12 =	vand.u32 $0x380, v12  }
0x86: {  	v13 =	vshll.u32 v14, $0x7;
	v11 =	vand.u32 $0xFFFFE000, v11;
	v12 =	vor.u32 s16, v12  }
0x87: {  	v11 =	vor.u32 v11, v12;
	v12 =	vshll.u32 v14, $0xA;
	v14 =	vand.u32 $0x380, v13;
	v13 =	vld [tilespmem:s31+$0x450];
	_ =	sdelay $0x1  }
0x88: {  	s17 =	sor.u32 $0x30, s0;
	v15 =	vshll.u32 v16, $0xA;
	v16 =	vshll.u32 v16, $0x7  }
0x89: {  	v9 =	vor.u32 v0, v9;
	v12 =	vand.u32 $0xFFFFE000, v12;
	v14 =	vor.u32 s17, v14  }
0x8a: {  	s1 =	simm.s32 $0x200;
	s13 =	smov.u32 s15;
	v10 =	vor.u32 v0, v10;
	v11 =	vor.u32 v0, v11;
	v14 =	vor.u32 v12, v14;
	v12 =	vld [tilespmem:s31+$0x460]  }
.LBB2_6:
0x8b: {  	p0 =	sne.s32 s1, $0x600;
	s16 =	sor.u32 $0x40, s0;
	v15 =	vand.u32 $0xFFFFE000, v15;
	v16 =	vand.u32 $0x380, v16;
	v17 =	vshll.u32 v13, $0x7;
	v18 =	vld [tilespmem:s31+$0x470]  }
0x8c: {  	v13 =	vshll.u32 v13, $0xA;
	v16 =	vor.u32 s16, v16;
	s16 =	sor.u32 $0x50, s0;
	v17 =	vand.u32 $0x380, v17  }
0x8d: {  	v13 =	vand.u32 $0xFFFFE000, v13;
	v15 =	vor.u32 v15, v16;
	v16 =	vor.u32 s16, v17  }
0x8e: {  	[tilespmem:s31+$0x400] =	vst v9;
	v9 =	vor.u32 v0, v14;
	v14 =	vor.u32 v0, v15;
	v13 =	vor.u32 v13, v16  }
0x8f: {  	[tilespmem:s31+$0x410] =	vst v10;
	v10 =	vor.u32 v0, v13;
	v13 =	vshll.u32 v12, $0xA;
	v12 =	vshll.u32 v12, $0x7  }
0x90: {  	s16 =	sor.u32 $0x60, s0;
	[tilespmem:s31+$0x420] =	vst v11;
	v11 =	vand.u32 $0xFFFFE000, v13;
	v12 =	vand.u32 $0x380, v12;
	v13 =	vshll.u32 v18, $0x7  }
0x91: {  	s0 =	sor.u32 $0x70, s0;
	[tilespmem:s31+$0x430] =	vst v9;
	v9 =	vor.u32 s16, v12;
	v12 =	vshll.u32 v18, $0xA;
	v13 =	vand.u32 $0x380, v13  }
0x92: {  	[tilespmem:s31+$0x440] =	vst v14;
	v9 =	vor.u32 v11, v9;
	v11 =	vand.u32 $0xFFFFE000, v12;
	v12 =	vor.u32 s0, v13  }
0x93: {  	[tilespmem:s31+$0x450] =	vst v10;
	v9 =	vor.u32 v0, v9;
	v10 =	vor.u32 v11, v12  }
0x94: {  	s17 =	sadd.s32 $0xC00, s31;
	s16 =	sadd.s32 $0x400, s31;
	s0 =	sshra.s32 s1, $0x2;
	[tilespmem:s31+$0x460] =	vst v9;
	v9 =	vor.u32 v0, v10  }
0x95: {  	[tilespmem:s31+$0x470] =	vst v9;
	[tilespmem:s17], [sflag:$0x5] =	stream.indirect.gather [hbm4b:s2+s19], $0x1, s16, s19, $0xb8  }
0x96: {  	s31 =	smov.u32 s0;
	v9 =	vld [tilespmem:s0+$0x400]  }
0x97: {  	v10 =	vld [tilespmem:s31+$0x410];
	_ =	sdelay $0x2  }
0x98: {  	v11 =	vld [tilespmem:s31+$0x420]  }
0x99: {  	s13 =	sadd.s32 $0x80, s13;
	v12 =	vshll.u32 v9, $0xA;
	v9 =	vshll.u32 v9, $0x7  }
0x9a: {  	s0 =	sand.u32 $0x1C00, s13;
	v12 =	vand.u32 $0xFFFFE000, v12;
	v9 =	vand.u32 $0x380, v9;
	v13 =	vshll.u32 v10, $0x7;
	v14 =	vld [tilespmem:s31+$0x430]  }
0x9b: {  	s16 =	sor.u32 $0x10, s0;
	v10 =	vshll.u32 v10, $0xA;
	v9 =	vor.u32 s0, v9;
	v13 =	vand.u32 $0x380, v13  }
0x9c: {  	v10 =	vand.u32 $0xFFFFE000, v10;
	v9 =	vor.u32 v12, v9;
	v12 =	vor.u32 s16, v13  }
0x9d: {  	v9 =	vor.u32 v0, v9;
	v10 =	vor.u32 v10, v12;
	v12 =	vshll.u32 v11, $0x7;
	v16 =	vld [tilespmem:s31+$0x440]  }
.Ltmp2:
0x9e: {  	s16 =	sor.u32 $0x20, s0;
	v11 =	vshll.u32 v11, $0xA;
	v10 =	vor.u32 v0, v10;
	v12 =	vand.u32 $0x380, v12;
	v13 =	vld [tilespmem:s31+$0x450];
	(pc) =	sbr.rel @p0 .LBB2_6-.Ltmp2, $4  }
0x9f: {  	v11 =	vand.u32 $0xFFFFE000, v11;
	v12 =	vor.u32 s16, v12;
	v15 =	vshll.u32 v14, $0x7  }
0xa0: {  	s16 =	sor.u32 $0x30, s0;
	v11 =	vor.u32 v11, v12;
	v12 =	vshll.u32 v14, $0xA;
	v14 =	vand.u32 $0x380, v15  }
0xa1: {  	v11 =	vor.u32 v0, v11;
	v12 =	vand.u32 $0xFFFFE000, v12;
	v14 =	vor.u32 s16, v14  }
0xa2: {  	s1 =	sadd.s32 $0x200, s1;
	v14 =	vor.u32 v12, v14;
	v15 =	vshll.u32 v16, $0xA;
	v16 =	vshll.u32 v16, $0x7;
	v12 =	vld [tilespmem:s31+$0x460]  }
0xa3: {  	s1 =	sor.u32 $0x40, s0;
	v15 =	vand.u32 $0xFFFFE000, v15;
	v16 =	vand.u32 $0x380, v16;
	v17 =	vshll.u32 v13, $0x7;
	v18 =	vld [tilespmem:s31+$0x470]  }
0xa4: {  	s16 =	sor.u32 $0x50, s0;
	v13 =	vshll.u32 v13, $0xA;
	v16 =	vor.u32 s1, v16;
	v17 =	vand.u32 $0x380, v17  }
0xa5: {  	v13 =	vand.u32 $0xFFFFE000, v13;
	v15 =	vor.u32 v15, v16;
	v16 =	vor.u32 s16, v17  }
0xa6: {  	[tilespmem:s31+$0x400] =	vst v9;
	v9 =	vor.u32 v0, v14;
	v14 =	vor.u32 v0, v15;
	v13 =	vor.u32 v13, v16  }
0xa7: {  	[tilespmem:s31+$0x410] =	vst v10;
	v10 =	vor.u32 v0, v13;
	v13 =	vshll.u32 v12, $0xA;
	v12 =	vshll.u32 v12, $0x7  }
0xa8: {  	[tilespmem:s31+$0x420] =	vst v11;
	s17 =	sor.u32 $0x60, s0;
	v11 =	vand.u32 $0xFFFFE000, v13;
	v12 =	vand.u32 $0x380, v12;
	v13 =	vshll.u32 v18, $0x7  }
0xa9: {  	s13 =	sor.u32 $0x70, s0;
	[tilespmem:s31+$0x430] =	vst v9;
	v9 =	vor.u32 s17, v12;
	v12 =	vshll.u32 v18, $0xA;
	v13 =	vand.u32 $0x380, v13  }
0xaa: {  	[tilespmem:s31+$0x440] =	vst v14;
	v9 =	vor.u32 v11, v9;
	v11 =	vand.u32 $0xFFFFE000, v12;
	v12 =	vor.u32 s13, v13  }
0xab: {  	[tilespmem:s31+$0x450] =	vst v10;
	v9 =	vor.u32 v0, v9;
	v10 =	vor.u32 v11, v12  }
0xac: {  	[tilespmem:s31+$0x460] =	vst v9;
	v9 =	vor.u32 v0, v10  }
0xad: {  	s16 =	sadd.s32 $0x400, s31;
	s17 =	sadd.s32 $0xC00, s31;
	[tilespmem:s31+$0x470] =	vst v9  }
0xae: {  	[tilespmem:s17], [sflag:$0x5] =	stream.indirect.gather [hbm4b:s2+s19], $0x1, s16, s19, $0xb8;
	[tilespmem:$0x1000] =	vst v63  }
0xaf: {  	_ =	swait.ge [sflag:s18], $0x200  }
0xb0: {  	[sflag:s18] =	ssyncset.done $0x0  }
0xb1: {  	s31 =	simm.s32 $0x0;
	[sflag:s18] =	ssyncadd.s32 $0xFFFFFE00  }
0xb2: {  	v9 =	vld [tilespmem:s31+$0x600]  }
0xb3: {  	v10 =	vld [tilespmem:s31+$0x610];
	_ =	sdelay $0x2  }
0xb4: {  	v11 =	vld [tilespmem:s31+$0x620]  }
0xb5: {  	v12 =	vshll.u32 v9, $0xA;
	v9 =	vshll.u32 v9, $0x7  }
0xb6: {  	s0 =	sand.u32 $0x1C00, s14;
	v14 =	vld [tilespmem:s31+$0x630];
	v13 =	vshll.u32 v10, $0x7;
	v10 =	vshll.u32 v10, $0xA;
	v9 =	vand.u32 $0x380, v9  }
0xb7: {  	s13 =	sor.u32 $0x10, s0;
	v12 =	vand.u32 $0xFFFFE000, v12;
	v13 =	vand.u32 $0x380, v13;
	v9 =	vor.u32 s0, v9  }
0xb8: {  	v10 =	vand.u32 $0xFFFFE000, v10;
	v9 =	vor.u32 v12, v9;
	v12 =	vor.u32 s13, v13  }
0xb9: {  	v16 =	vld [tilespmem:s31+$0x640];
	v10 =	vor.u32 v10, v12;
	v12 =	vshll.u32 v11, $0x7  }
0xba: {  	s16 =	sor.u32 $0x20, s0;
	v11 =	vshll.u32 v11, $0xA;
	v12 =	vand.u32 $0x380, v12  }
0xbb: {  	v13 =	vshll.u32 v14, $0x7;
	v11 =	vand.u32 $0xFFFFE000, v11;
	v12 =	vor.u32 s16, v12  }
0xbc: {  	v11 =	vor.u32 v11, v12;
	v12 =	vshll.u32 v14, $0xA;
	v14 =	vand.u32 $0x380, v13;
	v13 =	vld [tilespmem:s31+$0x650];
	_ =	sdelay $0x1  }
0xbd: {  	s17 =	sor.u32 $0x30, s0;
	v15 =	vshll.u32 v16, $0xA;
	v16 =	vshll.u32 v16, $0x7  }
0xbe: {  	v9 =	vor.u32 v0, v9;
	v12 =	vand.u32 $0xFFFFE000, v12;
	v14 =	vor.u32 s17, v14  }
0xbf: {  	s1 =	simm.s32 $0x200;
	s13 =	smov.u32 s14;
	v10 =	vor.u32 v0, v10;
	v11 =	vor.u32 v0, v11;
	v14 =	vor.u32 v12, v14;
	v12 =	vld [tilespmem:s31+$0x660]  }
.LBB2_8:
0xc0: {  	p0 =	sne.s32 s1, $0x600;
	s16 =	sor.u32 $0x40, s0;
	v15 =	vand.u32 $0xFFFFE000, v15;
	v16 =	vand.u32 $0x380, v16;
	v17 =	vshll.u32 v13, $0x7;
	v18 =	vld [tilespmem:s31+$0x670]  }
0xc1: {  	v13 =	vshll.u32 v13, $0xA;
	v16 =	vor.u32 s16, v16;
	s16 =	sor.u32 $0x50, s0;
	v17 =	vand.u32 $0x380, v17  }
0xc2: {  	v13 =	vand.u32 $0xFFFFE000, v13;
	v15 =	vor.u32 v15, v16;
	v16 =	vor.u32 s16, v17  }
0xc3: {  	[tilespmem:s31+$0x600] =	vst v9;
	v9 =	vor.u32 v0, v14;
	v14 =	vor.u32 v0, v15;
	v13 =	vor.u32 v13, v16  }
0xc4: {  	[tilespmem:s31+$0x610] =	vst v10;
	v10 =	vor.u32 v0, v13;
	v13 =	vshll.u32 v12, $0xA;
	v12 =	vshll.u32 v12, $0x7  }
0xc5: {  	s16 =	sor.u32 $0x60, s0;
	[tilespmem:s31+$0x620] =	vst v11;
	v11 =	vand.u32 $0xFFFFE000, v13;
	v12 =	vand.u32 $0x380, v12;
	v13 =	vshll.u32 v18, $0x7  }
0xc6: {  	s0 =	sor.u32 $0x70, s0;
	[tilespmem:s31+$0x630] =	vst v9;
	v9 =	vor.u32 s16, v12;
	v12 =	vshll.u32 v18, $0xA;
	v13 =	vand.u32 $0x380, v13  }
0xc7: {  	[tilespmem:s31+$0x640] =	vst v14;
	v9 =	vor.u32 v11, v9;
	v11 =	vand.u32 $0xFFFFE000, v12;
	v12 =	vor.u32 s0, v13  }
0xc8: {  	[tilespmem:s31+$0x650] =	vst v10;
	v9 =	vor.u32 v0, v9;
	v10 =	vor.u32 v11, v12  }
0xc9: {  	s17 =	sadd.s32 $0xE00, s31;
	s16 =	sadd.s32 $0x600, s31;
	s0 =	sshra.s32 s1, $0x2;
	[tilespmem:s31+$0x660] =	vst v9;
	v9 =	vor.u32 v0, v10  }
0xca: {  	[tilespmem:s31+$0x670] =	vst v9;
	[tilespmem:s17], [sflag:$0x6] =	stream.indirect.gather [hbm4b:s2+s19], $0x1, s16, s19, $0xb8  }
0xcb: {  	s31 =	smov.u32 s0;
	v9 =	vld [tilespmem:s0+$0x600]  }
0xcc: {  	v10 =	vld [tilespmem:s31+$0x610];
	_ =	sdelay $0x2  }
0xcd: {  	v11 =	vld [tilespmem:s31+$0x620]  }
0xce: {  	s13 =	sadd.s32 $0x80, s13;
	v12 =	vshll.u32 v9, $0xA;
	v9 =	vshll.u32 v9, $0x7  }
0xcf: {  	s0 =	sand.u32 $0x1C00, s13;
	v12 =	vand.u32 $0xFFFFE000, v12;
	v9 =	vand.u32 $0x380, v9;
	v13 =	vshll.u32 v10, $0x7;
	v14 =	vld [tilespmem:s31+$0x630]  }
0xd0: {  	s16 =	sor.u32 $0x10, s0;
	v10 =	vshll.u32 v10, $0xA;
	v9 =	vor.u32 s0, v9;
	v13 =	vand.u32 $0x380, v13  }
0xd1: {  	v10 =	vand.u32 $0xFFFFE000, v10;
	v9 =	vor.u32 v12, v9;
	v12 =	vor.u32 s16, v13  }
0xd2: {  	v9 =	vor.u32 v0, v9;
	v10 =	vor.u32 v10, v12;
	v12 =	vshll.u32 v11, $0x7;
	v16 =	vld [tilespmem:s31+$0x640]  }
.Ltmp3:
0xd3: {  	s16 =	sor.u32 $0x20, s0;
	v11 =	vshll.u32 v11, $0xA;
	v10 =	vor.u32 v0, v10;
	v12 =	vand.u32 $0x380, v12;
	v13 =	vld [tilespmem:s31+$0x650];
	(pc) =	sbr.rel @p0 .LBB2_8-.Ltmp3, $4  }
0xd4: {  	v11 =	vand.u32 $0xFFFFE000, v11;
	v12 =	vor.u32 s16, v12;
	v15 =	vshll.u32 v14, $0x7  }
0xd5: {  	s16 =	sor.u32 $0x30, s0;
	v11 =	vor.u32 v11, v12;
	v12 =	vshll.u32 v14, $0xA;
	v14 =	vand.u32 $0x380, v15  }
0xd6: {  	v11 =	vor.u32 v0, v11;
	v12 =	vand.u32 $0xFFFFE000, v12;
	v14 =	vor.u32 s16, v14  }
0xd7: {  	s1 =	sadd.s32 $0x200, s1;
	v14 =	vor.u32 v12, v14;
	v15 =	vshll.u32 v16, $0xA;
	v16 =	vshll.u32 v16, $0x7;
	v12 =	vld [tilespmem:s31+$0x660]  }
0xd8: {  	s1 =	sor.u32 $0x40, s0;
	v15 =	vand.u32 $0xFFFFE000, v15;
	v16 =	vand.u32 $0x380, v16;
	v17 =	vshll.u32 v13, $0x7;
	v18 =	vld [tilespmem:s31+$0x670]  }
0xd9: {  	s16 =	sor.u32 $0x50, s0;
	v56 =	vshll.u32 v13, $0xA;
	v16 =	vor.u32 s1, v16;
	v17 =	vand.u32 $0x380, v17  }
0xda: {  	v13 =	vand.u32 $0xFFFFE000, v56;
	v15 =	vor.u32 v15, v16;
	v57 =	vor.u32 s16, v17  }
0xdb: {  	[tilespmem:s31+$0x600] =	vst v9;
	v9 =	vor.u32 v0, v14;
	v58 =	vor.u32 v0, v15;
	v13 =	vor.u32 v13, v57  }
0xdc: {  	[tilespmem:s31+$0x610] =	vst v10;
	v10 =	vor.u32 v0, v13;
	v59 =	vshll.u32 v12, $0xA;
	v60 =	vshll.u32 v12, $0x7  }
0xdd: {  	[tilespmem:s31+$0x620] =	vst v11;
	s17 =	sor.u32 $0x60, s0;
	v11 =	vand.u32 $0xFFFFE000, v59;
	v12 =	vand.u32 $0x380, v60;
	v61 =	vshll.u32 v18, $0x7  }
0xde: {  	s13 =	sor.u32 $0x70, s0;
	[tilespmem:s31+$0x630] =	vst v9;
	v62 =	vshll.u32 v18, $0xA;
	v9 =	vor.u32 s17, v12;
	v13 =	vand.u32 $0x380, v61  }
0xdf: {  	[tilespmem:s31+$0x640] =	vst v58;
	v9 =	vor.u32 v11, v9;
	v11 =	vand.u32 $0xFFFFE000, v62;
	v63 =	vor.u32 s13, v13  }
0xe0: {  	[tilespmem:s31+$0x650] =	vst v10;
	v9 =	vor.u32 v0, v9;
	v10 =	vor.u32 v11, v63  }
0xe1: {  	[tilespmem:s31+$0x660] =	vst v9;
	v9 =	vor.u32 v0, v10  }
0xe2: {  	s16 =	sadd.s32 $0x600, s31;
	s17 =	sadd.s32 $0xE00, s31;
	[tilespmem:s31+$0x670] =	vst v9  }
0xe3: {  	[tilespmem:s17], [sflag:$0x6] =	stream.indirect.gather [hbm4b:s2+s19], $0x1, s16, s19, $0xb8;
	[tilespmem:$0x1000] =	vst v63  }
0xe4: {  	_ =	swait.ge [sflag:s20], $0x200  }
0xe5: {  	[sflag:s20] =	ssyncset.done $0x0  }
0xe6: {  	[sflag:s20] =	ssyncadd.s32 $0xFFFFFE00  }
0xe7: {  	[hbm4b:s8+s3] =	stream.linear.scatter [tilespmem:s21], [sflag:$0x2], $0x200, $0x38;
	[tilespmem:$0x1000] =	vst v63  }
0xe8: {  	_ =	swait.ge [sflag:s22], $0x200  }
0xe9: {  	[sflag:s22] =	ssyncset.done $0x0  }
0xea: {  	[sflag:s22] =	ssyncadd.s32 $0xFFFFFE00  }
0xeb: {  	[hbm4b:s9+s3] =	stream.linear.scatter [tilespmem:s23], [sflag:$0x2], $0x200, $0x38;
	[tilespmem:$0x1000] =	vst v63  }
0xec: {  	_ =	swait.ge [sflag:s24], $0x200  }
0xed: {  	[sflag:s24] =	ssyncset.done $0x0  }
0xee: {  	[sflag:s24] =	ssyncadd.s32 $0xFFFFFE00  }
0xef: {  	[hbm4b:s10+s3] =	stream.linear.scatter [tilespmem:s25], [sflag:$0x2], $0x200, $0x38;
	[tilespmem:$0x1000] =	vst v63  }
0xf0: {  	_ =	swait.ge [sflag:s26], $0x200  }
0xf1: {  	[sflag:s26] =	ssyncset.done $0x0  }
0xf2: {  	[sflag:s26] =	ssyncadd.s32 $0xFFFFFE00  }
0xf3: {  	[hbm4b:s11+s3] =	stream.linear.scatter [tilespmem:s28], [sflag:$0x2], $0x200, $0x38;
	[tilespmem:$0x1000] =	vst v63  }
0xf4: {  	_ =	swait.ge [sflag:s29], $0x200  }
0xf5: {  	[sflag:s29] =	ssyncset.done $0x0  }
0xf6: {  	[sflag:s29] =	ssyncadd.s32 $0xFFFFFE00  }
0xf7: {  	_ =	swait.ge [sflag:s29], $0x200  }
0xf8: {  	[sflag:s29] =	ssyncset.done $0x0  }
0xf9: {  	s30 =	sadd.s32 $0x1, s30;
	[sflag:s29] =	ssyncadd.s32 $0xFFFFFE00  }
0xfa: {  	p0 =	sne.s32 s30, s12;
	_ =	swait.ge [sflag:s29], $0x200  }
.Ltmp4:
0xfb: {  	[sflag:s29] =	ssyncset.done $0x0;
	(pc) =	sbr.rel @p0 .LBB2_1-.Ltmp4, $4  }
0xfc: {  	[sflag:s29] =	ssyncadd.s32 $0xFFFFFE00  }
0xfd: {  	_ =	swait.ge [sflag:s29], $0x200  }
0xfe: {  	[sflag:s29] =	ssyncset.done $0x0  }
0xff: {  	[sflag:s29] =	ssyncadd.s32 $0xFFFFFE00  }
0x100: {  	_ =	sfence.sel $0x180000  }
0x101: {  	[bflag:$0x0] =	sbarrier.arrive $0xFFFF  }
0x102: {  	_ =	strace $0x90000047  }
0x103: {  	s0 =	stileid.u32;
	[bflag:$0x2] =	sbarrier.arrive $0xFFFF  }
0x104: {  	p0 =	sne.s32 s0, $0x0;
	s0 =	rddreg [dreg:$0x3]  }
0x105: {  	s0 =	sadd.s32 @!p0 $0x100000, s0  }
0x106: {  	[sflag:s0] =	ssyncadd.tile.s32 @!p0 $0x1;
	_ =	shalt  }
.Lfunc_end2:
_tile_overlayer_lowered:
.L_overlay_start_2:
0x107: {  	(tag) =	ssettag $0x2  }
0x108: {  	s0 =	rddreg [dreg:$0x0];
	s2 =	stileid.u32  }
0x109: {  	s1 =	rddreg [dreg:$0x1];
	p0 =	sne.s32 s2, $0x0  }
0x10a: {  	s3 =	rddreg [dreg:$0x2];
	[bflag:$0x3] =	sbarrier.arrive $0xFFFF;
	s2 =	simm.s32 @!p0 $0x1C07  }
0x10b: {  	[timem:s3], [sflag:s2] =	dma.local @!p0 [hbm:s0], s1  }
0x10c: {  	s0 =	simm.s32 @!p0 $0x7  }
0x10d: {  	_ =	swait.ge @!p0 [sflag:s0], s1  }
0x10e: {  	s1 =	ssub.s32 @!p0 $0x0, s1;
	[sflag:s0] =	ssyncset.done @!p0 $0x0  }
0x10f: {  	[sflag:s0] =	ssyncadd.s32 @!p0 s1  }
0x110: {  	[bflag:$0x3] =	sbarrier.arrive $0xFFFF  }
0x111: {  	_ =	shalt  }

</sc_bundles>
